<compile_context>
chip_gen: v7x
topology: tpu7x:2x2x1
jax: 0.10.2.dev20260603
libtpu: 0.0.44.dev20260713+nightly
codegen_flags: <defaults>
</compile_context>

<pallas_src>
import functools

import jax
import jax.numpy as jnp
from jax import lax
from jax.experimental import pallas as pl
from jax.experimental.pallas import tpu as pltpu
from jax.experimental.pallas import tpu_sc as plsc

D = 32
MAXLEN = 200
NC = 2
NS = 16
NW = NC * NS
K = 80
NSTR = 10
CH = K * NSTR
SEQS_PER_CHUNK = CH // MAXLEN


@functools.lru_cache(maxsize=None)
def _build(n_rows):
    rows_per_worker = n_rows // NW
    n_chunks = rows_per_worker // CH
    mesh = plsc.VectorSubcoreMesh(core_axis_name="c", subcore_axis_name="s")

    @functools.partial(
        pl.kernel,
        mesh=mesh,
        out_type=jax.ShapeDtypeStruct((n_rows, D), jnp.float32),
        scratch_types=[
            pltpu.VMEM((CH,), jnp.int32),
            pltpu.VMEM((CH,), jnp.int32),
            pltpu.VMEM((CH, D), jnp.float32),
            pltpu.VMEM((CH, D), jnp.float32),
            pltpu.VMEM((MAXLEN, D), jnp.float32),
            pltpu.SemaphoreType.DMA,
            pltpu.SemaphoreType.DMA,
            pltpu.SemaphoreType.DMA,
            pltpu.SemaphoreType.DMA,
            pltpu.SemaphoreType.DMA,
            pltpu.SemaphoreType.DMA,
        ],
        compiler_params=pltpu.CompilerParams(use_tc_tiling_on_sc=False),
    )
    def emb(ids_hbm, tok_hbm, pos_hbm, out_hbm,
            idx0, idx1, rows0, rows1, pos_v,
            gsem0, gsem1, isem0, isem1, osem0, osem1):
        idx = (idx0, idx1)
        rows = (rows0, rows1)
        gsem = (gsem0, gsem1)
        isem = (isem0, isem1)
        osem = (osem0, osem1)

        wid = lax.axis_index("s") * NC + lax.axis_index("c")
        base = wid * rows_per_worker
        pltpu.sync_copy(pos_hbm, pos_v)

        def fire_gathers(b):
            for j in range(NSTR):
                pltpu.async_copy(tok_hbm.at[idx[b].at[pl.ds(j * K, K)]],
                                 rows[b].at[pl.ds(j * K, K)], gsem[b])

        def drain_gathers(b):
            pltpu.make_async_copy(out_hbm.at[pl.ds(0, CH)], rows[b],
                                  gsem[b]).wait()

        def drain_idx(b):
            pltpu.make_async_copy(ids_hbm.at[pl.ds(0, CH)], idx[b],
                                  isem[b]).wait()

        def drain_out(b):
            pltpu.make_async_copy(rows[b], out_hbm.at[pl.ds(0, CH)],
                                  osem[b]).wait()

        def add_pos(b):
            def add_body(r2, c2):
                for u in range(8):
                    r = r2 * 8 + u
                    p0 = pos_v[r, pl.ds(0, 16)]
                    p1 = pos_v[r, pl.ds(16, 16)]
                    for s in range(SEQS_PER_CHUNK):
                        row = s * MAXLEN + r
                        plsc.addupdate(rows[b].at[row, pl.ds(0, 16)], p0)
                        plsc.addupdate(rows[b].at[row, pl.ds(16, 16)], p1)
                return c2
            lax.fori_loop(0, MAXLEN // 8, add_body, 0)

        pltpu.sync_copy(ids_hbm.at[pl.ds(base, CH)], idx0)
        fire_gathers(0)
        pltpu.async_copy(ids_hbm.at[pl.ds(base + CH, CH)], idx1, isem1)

        def pair_body(go, carry):
            for par in range(2):
                b, nb = par, 1 - par
                g = 2 * go + par
                start = base + g * CH

                @pl.when(jnp.logical_and(g >= 1, g + 1 < n_chunks))
                def _wait_prev_out():
                    drain_out(nb)

                @pl.when(g + 1 < n_chunks)
                def _fire_next():
                    drain_idx(nb)
                    fire_gathers(nb)

                drain_gathers(b)

                @pl.when(g + 2 < n_chunks)
                def _prefetch_idx():
                    pltpu.async_copy(
                        ids_hbm.at[pl.ds(start + 2 * CH, CH)], idx[b],
                        isem[b])

                add_pos(b)
                pltpu.async_copy(rows[b], out_hbm.at[pl.ds(start, CH)],
                                 osem[b])
            return carry

        lax.fori_loop(0, n_chunks // 2, pair_body, 0)
        drain_out(0)
        drain_out(1)

    return emb


def kernel(token_ids, token_table, pos_table):
    batch, seq = token_ids.shape
    n_rows = batch * seq
    ids_flat = token_ids.astype(jnp.int32).reshape(n_rows)
    out = _build(n_rows)(ids_flat, token_table, pos_table)
    return out.reshape(batch, seq, D)

# --- scband reference (transcript-rebuilt; emitter-appended) ---
"""Pipeline reference for scband-token-and-position-embedding-1941325218154 (READ-ONLY COPY).

The authoritative reference and input builder live on the scoring server;
editing this copy changes nothing except your own understanding.
"""

import jax, jax.numpy as jnp
import numpy as np

VOCAB = 1000000
MAXLEN = 200
EMBED_DIM = 32
BATCH = 4096
SEQ = 200

def setup_inputs(seed: int = 0) -> dict:
    key = jax.random.key(seed)
    k1, k2, k3 = jax.random.split(key, 3)
    token_ids = jax.random.randint(k1, (BATCH, SEQ), 0, VOCAB, dtype=jnp.int64 if jax.config.read('jax_enable_x64') else jnp.int32)
    token_table = jax.random.normal(k2, (VOCAB, EMBED_DIM), dtype=jnp.float32) * 0.02
    pos_table = jax.random.normal(k3, (MAXLEN, EMBED_DIM), dtype=jnp.float32) * 0.02
    return {"token_ids": token_ids, "token_table": token_table, "pos_table": pos_table}

def reference(token_ids, token_table, pos_table):
    seq_len = token_ids.shape[1]
    positions = jnp.arange(seq_len)[None, :]
    tok = jnp.take(token_table, token_ids, axis=0)
    pos = jnp.take(pos_table, positions, axis=0)
    return tok + pos

if __name__ == "__main__":
    import jax
    _d = setup_inputs()
    print(jax.jit(kernel)(*tuple(_d.values())))

</pallas_src>

<mosaic_0001>
#map = affine_map<(d0, d1) -> (0)>
#map1 = affine_map<(d0, d1) -> (0, 0)>
module attributes {stable_mosaic.version = 14 : i64} {
  func.func @emb(%arg0: i32, %arg1: i32, %arg2: memref<819200xi32, #tpu.memory_space<hbm>>, %arg3: memref<1000000x32xf32, #tpu.memory_space<hbm>>, %arg4: memref<200x32xf32, #tpu.memory_space<hbm>>, %arg5: memref<819200x32xf32, #tpu.memory_space<hbm>>, %arg6: memref<800xi32, #tpu.memory_space<vmem>>, %arg7: memref<800xi32, #tpu.memory_space<vmem>>, %arg8: memref<800x32xf32, #tpu.memory_space<vmem>>, %arg9: memref<800x32xf32, #tpu.memory_space<vmem>>, %arg10: memref<200x32xf32, #tpu.memory_space<vmem>>, %arg11: memref<!tpu.dma_semaphore, #tpu.memory_space<semaphore_mem>>, %arg12: memref<!tpu.dma_semaphore, #tpu.memory_space<semaphore_mem>>, %arg13: memref<!tpu.dma_semaphore, #tpu.memory_space<semaphore_mem>>, %arg14: memref<!tpu.dma_semaphore, #tpu.memory_space<semaphore_mem>>, %arg15: memref<!tpu.dma_semaphore, #tpu.memory_space<semaphore_mem>>, %arg16: memref<!tpu.dma_semaphore, #tpu.memory_space<semaphore_mem>>) attributes {dimension_semantics = [#tpu.dimension_semantics<core_parallel>, #tpu.dimension_semantics<subcore_parallel>], iteration_bounds = array<i64: 2, 16>, scalar_prefetch = 0 : i64, scratch_operands = 11 : i64, tpu.core_type = #tpu.core_type<sc_vector_subcore>, window_params = [{transform_indices = #map}, {transform_indices = #map1}, {transform_indices = #map1}, {transform_indices = #map1}]} {
    %mul3A = arith.constant 2 : i32
    %mul3A_0 = arith.muli %arg1, %mul3A : i32
    %add3A = arith.addi %mul3A_0, %arg0 : i32
    %mul3A_1 = arith.constant 25600 : i32
    %mul3A_2 = arith.muli %add3A, %mul3A_1 : i32
    "tpu.region"() ({
      %run_scoped3A = tpu.sem_alloc : memref<!tpu.dma_semaphore, #tpu.memory_space<semaphore_mem>>
      tpu.enqueue_dma source(%arg4 : memref<200x32xf32, #tpu.memory_space<hbm>>) target(%arg10 : memref<200x32xf32, #tpu.memory_space<vmem>>) target_semaphore(%run_scoped3A : memref<!tpu.dma_semaphore, #tpu.memory_space<semaphore_mem>>)
      tpu.wait_dma2 semaphore(%run_scoped3A : memref<!tpu.dma_semaphore, #tpu.memory_space<semaphore_mem>>) src(%arg4 : memref<200x32xf32, #tpu.memory_space<hbm>>) dst(%arg10 : memref<200x32xf32, #tpu.memory_space<vmem>>)
      tpu.yield
    }) : () -> ()
    "tpu.region"() ({
      %run_scoped3A = tpu.sem_alloc : memref<!tpu.dma_semaphore, #tpu.memory_space<semaphore_mem>>
      %dma_start3A_102 = tpu.memref_slice %arg2[%mul3A_2] : memref<819200xi32, #tpu.memory_space<hbm>> -> memref<800xi32, #tpu.memory_space<hbm>>
      %dma_start3A_103 = tpu.memref_slice %arg2[%mul3A_2] : memref<819200xi32, #tpu.memory_space<hbm>> -> memref<800xi32, #tpu.memory_space<hbm>>
      tpu.enqueue_dma source(%dma_start3A_103 : memref<800xi32, #tpu.memory_space<hbm>>) target(%arg6 : memref<800xi32, #tpu.memory_space<vmem>>) target_semaphore(%run_scoped3A : memref<!tpu.dma_semaphore, #tpu.memory_space<semaphore_mem>>)
      %dma_wait3A_104 = tpu.memref_slice %arg2[%mul3A_2] : memref<819200xi32, #tpu.memory_space<hbm>> -> memref<800xi32, #tpu.memory_space<hbm>>
      %dma_wait3A_105 = tpu.memref_slice %arg2[%mul3A_2] : memref<819200xi32, #tpu.memory_space<hbm>> -> memref<800xi32, #tpu.memory_space<hbm>>
      tpu.wait_dma2 semaphore(%run_scoped3A : memref<!tpu.dma_semaphore, #tpu.memory_space<semaphore_mem>>) src(%dma_wait3A_105 : memref<800xi32, #tpu.memory_space<hbm>>) dst(%arg6 : memref<800xi32, #tpu.memory_space<vmem>>)
      tpu.yield
    }) : () -> ()
    %dma_start3A = arith.constant 0 : i32
    %dma_start3A_3 = arith.constant 0 : i32
    %dma_start3A_4 = tpu.memref_slice %arg8[%dma_start3A, %dma_start3A_3] : memref<800x32xf32, #tpu.memory_space<vmem>> -> memref<80x32xf32, #tpu.memory_space<vmem>>
    %dma_start3A_5 = arith.constant 0 : i32
    %dma_start3A_6 = tpu.memref_slice %arg6[%dma_start3A_5] : memref<800xi32, #tpu.memory_space<vmem>> -> memref<80xi32, #tpu.memory_space<vmem>>
    %dma_start3A_7 = arith.constant 0 : i32
    %dma_start3A_8 = arith.constant 0 : i32
    %dma_start3A_9 = tpu.memref_slice %arg3[%dma_start3A_7, %dma_start3A_8] : memref<1000000x32xf32, #tpu.memory_space<hbm>> -> memref<1000000x32xf32, #tpu.memory_space<hbm>>
    tpu.enqueue_indirect_dma source(%dma_start3A_9 : memref<1000000x32xf32, #tpu.memory_space<hbm>>) target(%dma_start3A_4 : memref<80x32xf32, #tpu.memory_space<vmem>>) offsets(%dma_start3A_6 : memref<80xi32, #tpu.memory_space<vmem>>) semaphore(%arg11 : memref<!tpu.dma_semaphore, #tpu.memory_space<semaphore_mem>>)
    %dma_start3A_10 = arith.constant 80 : i32
    %dma_start3A_11 = arith.constant 0 : i32
    %dma_start3A_12 = tpu.memref_slice %arg8[%dma_start3A_10, %dma_start3A_11] : memref<800x32xf32, #tpu.memory_space<vmem>> -> memref<80x32xf32, #tpu.memory_space<vmem>>
    %dma_start3A_13 = arith.constant 80 : i32
    %dma_start3A_14 = tpu.memref_slice %arg6[%dma_start3A_13] : memref<800xi32, #tpu.memory_space<vmem>> -> memref<80xi32, #tpu.memory_space<vmem>>
    %dma_start3A_15 = arith.constant 0 : i32
    %dma_start3A_16 = arith.constant 0 : i32
    %dma_start3A_17 = tpu.memref_slice %arg3[%dma_start3A_15, %dma_start3A_16] : memref<1000000x32xf32, #tpu.memory_space<hbm>> -> memref<1000000x32xf32, #tpu.memory_space<hbm>>
    tpu.enqueue_indirect_dma source(%dma_start3A_17 : memref<1000000x32xf32, #tpu.memory_space<hbm>>) target(%dma_start3A_12 : memref<80x32xf32, #tpu.memory_space<vmem>>) offsets(%dma_start3A_14 : memref<80xi32, #tpu.memory_space<vmem>>) semaphore(%arg11 : memref<!tpu.dma_semaphore, #tpu.memory_space<semaphore_mem>>)
    %dma_start3A_18 = arith.constant 160 : i32
    %dma_start3A_19 = arith.constant 0 : i32
    %dma_start3A_20 = tpu.memref_slice %arg8[%dma_start3A_18, %dma_start3A_19] : memref<800x32xf32, #tpu.memory_space<vmem>> -> memref<80x32xf32, #tpu.memory_space<vmem>>
    %dma_start3A_21 = arith.constant 160 : i32
    %dma_start3A_22 = tpu.memref_slice %arg6[%dma_start3A_21] : memref<800xi32, #tpu.memory_space<vmem>> -> memref<80xi32, #tpu.memory_space<vmem>>
    %dma_start3A_23 = arith.constant 0 : i32
    %dma_start3A_24 = arith.constant 0 : i32
    %dma_start3A_25 = tpu.memref_slice %arg3[%dma_start3A_23, %dma_start3A_24] : memref<1000000x32xf32, #tpu.memory_space<hbm>> -> memref<1000000x32xf32, #tpu.memory_space<hbm>>
    tpu.enqueue_indirect_dma source(%dma_start3A_25 : memref<1000000x32xf32, #tpu.memory_space<hbm>>) target(%dma_start3A_20 : memref<80x32xf32, #tpu.memory_space<vmem>>) offsets(%dma_start3A_22 : memref<80xi32, #tpu.memory_space<vmem>>) semaphore(%arg11 : memref<!tpu.dma_semaphore, #tpu.memory_space<semaphore_mem>>)
    %dma_start3A_26 = arith.constant 240 : i32
    %dma_start3A_27 = arith.constant 0 : i32
    %dma_start3A_28 = tpu.memref_slice %arg8[%dma_start3A_26, %dma_start3A_27] : memref<800x32xf32, #tpu.memory_space<vmem>> -> memref<80x32xf32, #tpu.memory_space<vmem>>
    %dma_start3A_29 = arith.constant 240 : i32
    %dma_start3A_30 = tpu.memref_slice %arg6[%dma_start3A_29] : memref<800xi32, #tpu.memory_space<vmem>> -> memref<80xi32, #tpu.memory_space<vmem>>
    %dma_start3A_31 = arith.constant 0 : i32
    %dma_start3A_32 = arith.constant 0 : i32
    %dma_start3A_33 = tpu.memref_slice %arg3[%dma_start3A_31, %dma_start3A_32] : memref<1000000x32xf32, #tpu.memory_space<hbm>> -> memref<1000000x32xf32, #tpu.memory_space<hbm>>
    tpu.enqueue_indirect_dma source(%dma_start3A_33 : memref<1000000x32xf32, #tpu.memory_space<hbm>>) target(%dma_start3A_28 : memref<80x32xf32, #tpu.memory_space<vmem>>) offsets(%dma_start3A_30 : memref<80xi32, #tpu.memory_space<vmem>>) semaphore(%arg11 : memref<!tpu.dma_semaphore, #tpu.memory_space<semaphore_mem>>)
    %dma_start3A_34 = arith.constant 320 : i32
    %dma_start3A_35 = arith.constant 0 : i32
    %dma_start3A_36 = tpu.memref_slice %arg8[%dma_start3A_34, %dma_start3A_35] : memref<800x32xf32, #tpu.memory_space<vmem>> -> memref<80x32xf32, #tpu.memory_space<vmem>>
    %dma_start3A_37 = arith.constant 320 : i32
    %dma_start3A_38 = tpu.memref_slice %arg6[%dma_start3A_37] : memref<800xi32, #tpu.memory_space<vmem>> -> memref<80xi32, #tpu.memory_space<vmem>>
    %dma_start3A_39 = arith.constant 0 : i32
    %dma_start3A_40 = arith.constant 0 : i32
    %dma_start3A_41 = tpu.memref_slice %arg3[%dma_start3A_39, %dma_start3A_40] : memref<1000000x32xf32, #tpu.memory_space<hbm>> -> memref<1000000x32xf32, #tpu.memory_space<hbm>>
    tpu.enqueue_indirect_dma source(%dma_start3A_41 : memref<1000000x32xf32, #tpu.memory_space<hbm>>) target(%dma_start3A_36 : memref<80x32xf32, #tpu.memory_space<vmem>>) offsets(%dma_start3A_38 : memref<80xi32, #tpu.memory_space<vmem>>) semaphore(%arg11 : memref<!tpu.dma_semaphore, #tpu.memory_space<semaphore_mem>>)
    %dma_start3A_42 = arith.constant 400 : i32
    %dma_start3A_43 = arith.constant 0 : i32
    %dma_start3A_44 = tpu.memref_slice %arg8[%dma_start3A_42, %dma_start3A_43] : memref<800x32xf32, #tpu.memory_space<vmem>> -> memref<80x32xf32, #tpu.memory_space<vmem>>
    %dma_start3A_45 = arith.constant 400 : i32
    %dma_start3A_46 = tpu.memref_slice %arg6[%dma_start3A_45] : memref<800xi32, #tpu.memory_space<vmem>> -> memref<80xi32, #tpu.memory_space<vmem>>
    %dma_start3A_47 = arith.constant 0 : i32
    %dma_start3A_48 = arith.constant 0 : i32
    %dma_start3A_49 = tpu.memref_slice %arg3[%dma_start3A_47, %dma_start3A_48] : memref<1000000x32xf32, #tpu.memory_space<hbm>> -> memref<1000000x32xf32, #tpu.memory_space<hbm>>
    tpu.enqueue_indirect_dma source(%dma_start3A_49 : memref<1000000x32xf32, #tpu.memory_space<hbm>>) target(%dma_start3A_44 : memref<80x32xf32, #tpu.memory_space<vmem>>) offsets(%dma_start3A_46 : memref<80xi32, #tpu.memory_space<vmem>>) semaphore(%arg11 : memref<!tpu.dma_semaphore, #tpu.memory_space<semaphore_mem>>)
    %dma_start3A_50 = arith.constant 480 : i32
    %dma_start3A_51 = arith.constant 0 : i32
    %dma_start3A_52 = tpu.memref_slice %arg8[%dma_start3A_50, %dma_start3A_51] : memref<800x32xf32, #tpu.memory_space<vmem>> -> memref<80x32xf32, #tpu.memory_space<vmem>>
    %dma_start3A_53 = arith.constant 480 : i32
    %dma_start3A_54 = tpu.memref_slice %arg6[%dma_start3A_53] : memref<800xi32, #tpu.memory_space<vmem>> -> memref<80xi32, #tpu.memory_space<vmem>>
    %dma_start3A_55 = arith.constant 0 : i32
    %dma_start3A_56 = arith.constant 0 : i32
    %dma_start3A_57 = tpu.memref_slice %arg3[%dma_start3A_55, %dma_start3A_56] : memref<1000000x32xf32, #tpu.memory_space<hbm>> -> memref<1000000x32xf32, #tpu.memory_space<hbm>>
    tpu.enqueue_indirect_dma source(%dma_start3A_57 : memref<1000000x32xf32, #tpu.memory_space<hbm>>) target(%dma_start3A_52 : memref<80x32xf32, #tpu.memory_space<vmem>>) offsets(%dma_start3A_54 : memref<80xi32, #tpu.memory_space<vmem>>) semaphore(%arg11 : memref<!tpu.dma_semaphore, #tpu.memory_space<semaphore_mem>>)
    %dma_start3A_58 = arith.constant 560 : i32
    %dma_start3A_59 = arith.constant 0 : i32
    %dma_start3A_60 = tpu.memref_slice %arg8[%dma_start3A_58, %dma_start3A_59] : memref<800x32xf32, #tpu.memory_space<vmem>> -> memref<80x32xf32, #tpu.memory_space<vmem>>
    %dma_start3A_61 = arith.constant 560 : i32
    %dma_start3A_62 = tpu.memref_slice %arg6[%dma_start3A_61] : memref<800xi32, #tpu.memory_space<vmem>> -> memref<80xi32, #tpu.memory_space<vmem>>
    %dma_start3A_63 = arith.constant 0 : i32
    %dma_start3A_64 = arith.constant 0 : i32
    %dma_start3A_65 = tpu.memref_slice %arg3[%dma_start3A_63, %dma_start3A_64] : memref<1000000x32xf32, #tpu.memory_space<hbm>> -> memref<1000000x32xf32, #tpu.memory_space<hbm>>
    tpu.enqueue_indirect_dma source(%dma_start3A_65 : memref<1000000x32xf32, #tpu.memory_space<hbm>>) target(%dma_start3A_60 : memref<80x32xf32, #tpu.memory_space<vmem>>) offsets(%dma_start3A_62 : memref<80xi32, #tpu.memory_space<vmem>>) semaphore(%arg11 : memref<!tpu.dma_semaphore, #tpu.memory_space<semaphore_mem>>)
    %dma_start3A_66 = arith.constant 640 : i32
    %dma_start3A_67 = arith.constant 0 : i32
    %dma_start3A_68 = tpu.memref_slice %arg8[%dma_start3A_66, %dma_start3A_67] : memref<800x32xf32, #tpu.memory_space<vmem>> -> memref<80x32xf32, #tpu.memory_space<vmem>>
    %dma_start3A_69 = arith.constant 640 : i32
    %dma_start3A_70 = tpu.memref_slice %arg6[%dma_start3A_69] : memref<800xi32, #tpu.memory_space<vmem>> -> memref<80xi32, #tpu.memory_space<vmem>>
    %dma_start3A_71 = arith.constant 0 : i32
    %dma_start3A_72 = arith.constant 0 : i32
    %dma_start3A_73 = tpu.memref_slice %arg3[%dma_start3A_71, %dma_start3A_72] : memref<1000000x32xf32, #tpu.memory_space<hbm>> -> memref<1000000x32xf32, #tpu.memory_space<hbm>>
    tpu.enqueue_indirect_dma source(%dma_start3A_73 : memref<1000000x32xf32, #tpu.memory_space<hbm>>) target(%dma_start3A_68 : memref<80x32xf32, #tpu.memory_space<vmem>>) offsets(%dma_start3A_70 : memref<80xi32, #tpu.memory_space<vmem>>) semaphore(%arg11 : memref<!tpu.dma_semaphore, #tpu.memory_space<semaphore_mem>>)
    %dma_start3A_74 = arith.constant 720 : i32
    %dma_start3A_75 = arith.constant 0 : i32
    %dma_start3A_76 = tpu.memref_slice %arg8[%dma_start3A_74, %dma_start3A_75] : memref<800x32xf32, #tpu.memory_space<vmem>> -> memref<80x32xf32, #tpu.memory_space<vmem>>
    %dma_start3A_77 = arith.constant 720 : i32
    %dma_start3A_78 = tpu.memref_slice %arg6[%dma_start3A_77] : memref<800xi32, #tpu.memory_space<vmem>> -> memref<80xi32, #tpu.memory_space<vmem>>
    %dma_start3A_79 = arith.constant 0 : i32
    %dma_start3A_80 = arith.constant 0 : i32
    %dma_start3A_81 = tpu.memref_slice %arg3[%dma_start3A_79, %dma_start3A_80] : memref<1000000x32xf32, #tpu.memory_space<hbm>> -> memref<1000000x32xf32, #tpu.memory_space<hbm>>
    tpu.enqueue_indirect_dma source(%dma_start3A_81 : memref<1000000x32xf32, #tpu.memory_space<hbm>>) target(%dma_start3A_76 : memref<80x32xf32, #tpu.memory_space<vmem>>) offsets(%dma_start3A_78 : memref<80xi32, #tpu.memory_space<vmem>>) semaphore(%arg11 : memref<!tpu.dma_semaphore, #tpu.memory_space<semaphore_mem>>)
    %add3A_82 = arith.constant 800 : i32
    %add3A_83 = arith.addi %mul3A_2, %add3A_82 : i32
    %dma_start3A_84 = tpu.memref_slice %arg2[%add3A_83] : memref<819200xi32, #tpu.memory_space<hbm>> -> memref<800xi32, #tpu.memory_space<hbm>>
    %dma_start3A_85 = tpu.memref_slice %arg2[%add3A_83] : memref<819200xi32, #tpu.memory_space<hbm>> -> memref<800xi32, #tpu.memory_space<hbm>>
    tpu.enqueue_dma source(%dma_start3A_85 : memref<800xi32, #tpu.memory_space<hbm>>) target(%arg7 : memref<800xi32, #tpu.memory_space<vmem>>) target_semaphore(%arg14 : memref<!tpu.dma_semaphore, #tpu.memory_space<semaphore_mem>>)
    %scan3A = arith.constant 0 : i32
    %scan3A_86 = arith.constant 0 : i32
    %scan3A_87 = arith.constant 16 : i32
    %scan3A_88 = arith.addi %scan3A_86, %scan3A_87 : i32
    %scan3A_89 = arith.constant 1 : i32
    scf.for %scan3A_102 = %scan3A_86 to %scan3A_88 step %scan3A_89  : i32 {
      %mul3A_103 = arith.constant 2 : i32
      %mul3A_104 = arith.muli %mul3A_103, %scan3A_102 : i32
      %add3A_105 = arith.constant 0 : i32
      %add3A_106 = arith.addi %mul3A_104, %add3A_105 : i32
      %mul3A_107 = arith.constant 800 : i32
      %mul3A_108 = arith.muli %add3A_106, %mul3A_107 : i32
      %add3A_109 = arith.addi %mul3A_2, %mul3A_108 : i32
      %ge3A = arith.constant 1 : i32
      %ge3A_110 = arith.cmpi sge, %add3A_106, %ge3A : i32
      %add3A_111 = arith.constant 1 : i32
      %add3A_112 = arith.addi %add3A_106, %add3A_111 : i32
      %lt3A = arith.constant 32 : i32
      %lt3A_113 = arith.cmpi slt, %add3A_112, %lt3A : i32
      %and3A = arith.andi %ge3A_110, %lt3A_113 : i1
      %convert_element_type3A = arith.extui %and3A : i1 to i32
      %cond3A = arith.constant 0 : i32
      %cond3A_114 = arith.cmpi ne, %convert_element_type3A, %cond3A : i32
      scf.if %cond3A_114 {
        %dma_wait3A_192 = arith.constant 0 : i32
        %dma_wait3A_193 = arith.constant 0 : i32
        %dma_wait3A_194 = tpu.memref_slice %arg5[%dma_wait3A_192, %dma_wait3A_193] : memref<819200x32xf32, #tpu.memory_space<hbm>> -> memref<800x32xf32, #tpu.memory_space<hbm>>
        %dma_wait3A_195 = arith.constant 0 : i32
        %dma_wait3A_196 = arith.constant 0 : i32
        %dma_wait3A_197 = tpu.memref_slice %arg5[%dma_wait3A_195, %dma_wait3A_196] : memref<819200x32xf32, #tpu.memory_space<hbm>> -> memref<800x32xf32, #tpu.memory_space<hbm>>
        tpu.wait_dma2 semaphore(%arg16 : memref<!tpu.dma_semaphore, #tpu.memory_space<semaphore_mem>>) src(%arg9 : memref<800x32xf32, #tpu.memory_space<vmem>>) dst(%dma_wait3A_197 : memref<800x32xf32, #tpu.memory_space<hbm>>)
      } else {
      }
      %add3A_115 = arith.constant 1 : i32
      %add3A_116 = arith.addi %add3A_106, %add3A_115 : i32
      %lt3A_117 = arith.constant 32 : i32
      %lt3A_118 = arith.cmpi slt, %add3A_116, %lt3A_117 : i32
      %convert_element_type3A_119 = arith.extui %lt3A_118 : i1 to i32
      %cond3A_120 = arith.constant 0 : i32
      %cond3A_121 = arith.cmpi ne, %convert_element_type3A_119, %cond3A_120 : i32
      scf.if %cond3A_121 {
        %dma_wait3A_192 = arith.constant 0 : i32
        %dma_wait3A_193 = tpu.memref_slice %arg2[%dma_wait3A_192] : memref<819200xi32, #tpu.memory_space<hbm>> -> memref<800xi32, #tpu.memory_space<hbm>>
        %dma_wait3A_194 = arith.constant 0 : i32
        %dma_wait3A_195 = tpu.memref_slice %arg2[%dma_wait3A_194] : memref<819200xi32, #tpu.memory_space<hbm>> -> memref<800xi32, #tpu.memory_space<hbm>>
        tpu.wait_dma2 semaphore(%arg14 : memref<!tpu.dma_semaphore, #tpu.memory_space<semaphore_mem>>) src(%dma_wait3A_195 : memref<800xi32, #tpu.memory_space<hbm>>) dst(%arg7 : memref<800xi32, #tpu.memory_space<vmem>>)
        %dma_start3A_196 = arith.constant 0 : i32
        %dma_start3A_197 = arith.constant 0 : i32
        %dma_start3A_198 = tpu.memref_slice %arg9[%dma_start3A_196, %dma_start3A_197] : memref<800x32xf32, #tpu.memory_space<vmem>> -> memref<80x32xf32, #tpu.memory_space<vmem>>
        %dma_start3A_199 = arith.constant 0 : i32
        %dma_start3A_200 = tpu.memref_slice %arg7[%dma_start3A_199] : memref<800xi32, #tpu.memory_space<vmem>> -> memref<80xi32, #tpu.memory_space<vmem>>
        %dma_start3A_201 = arith.constant 0 : i32
        %dma_start3A_202 = arith.constant 0 : i32
        %dma_start3A_203 = tpu.memref_slice %arg3[%dma_start3A_201, %dma_start3A_202] : memref<1000000x32xf32, #tpu.memory_space<hbm>> -> memref<1000000x32xf32, #tpu.memory_space<hbm>>
        tpu.enqueue_indirect_dma source(%dma_start3A_203 : memref<1000000x32xf32, #tpu.memory_space<hbm>>) target(%dma_start3A_198 : memref<80x32xf32, #tpu.memory_space<vmem>>) offsets(%dma_start3A_200 : memref<80xi32, #tpu.memory_space<vmem>>) semaphore(%arg12 : memref<!tpu.dma_semaphore, #tpu.memory_space<semaphore_mem>>)
        %dma_start3A_204 = arith.constant 80 : i32
        %dma_start3A_205 = arith.constant 0 : i32
        %dma_start3A_206 = tpu.memref_slice %arg9[%dma_start3A_204, %dma_start3A_205] : memref<800x32xf32, #tpu.memory_space<vmem>> -> memref<80x32xf32, #tpu.memory_space<vmem>>
        %dma_start3A_207 = arith.constant 80 : i32
        %dma_start3A_208 = tpu.memref_slice %arg7[%dma_start3A_207] : memref<800xi32, #tpu.memory_space<vmem>> -> memref<80xi32, #tpu.memory_space<vmem>>
        %dma_start3A_209 = arith.constant 0 : i32
        %dma_start3A_210 = arith.constant 0 : i32
        %dma_start3A_211 = tpu.memref_slice %arg3[%dma_start3A_209, %dma_start3A_210] : memref<1000000x32xf32, #tpu.memory_space<hbm>> -> memref<1000000x32xf32, #tpu.memory_space<hbm>>
        tpu.enqueue_indirect_dma source(%dma_start3A_211 : memref<1000000x32xf32, #tpu.memory_space<hbm>>) target(%dma_start3A_206 : memref<80x32xf32, #tpu.memory_space<vmem>>) offsets(%dma_start3A_208 : memref<80xi32, #tpu.memory_space<vmem>>) semaphore(%arg12 : memref<!tpu.dma_semaphore, #tpu.memory_space<semaphore_mem>>)
        %dma_start3A_212 = arith.constant 160 : i32
        %dma_start3A_213 = arith.constant 0 : i32
        %dma_start3A_214 = tpu.memref_slice %arg9[%dma_start3A_212, %dma_start3A_213] : memref<800x32xf32, #tpu.memory_space<vmem>> -> memref<80x32xf32, #tpu.memory_space<vmem>>
        %dma_start3A_215 = arith.constant 160 : i32
        %dma_start3A_216 = tpu.memref_slice %arg7[%dma_start3A_215] : memref<800xi32, #tpu.memory_space<vmem>> -> memref<80xi32, #tpu.memory_space<vmem>>
        %dma_start3A_217 = arith.constant 0 : i32
        %dma_start3A_218 = arith.constant 0 : i32
        %dma_start3A_219 = tpu.memref_slice %arg3[%dma_start3A_217, %dma_start3A_218] : memref<1000000x32xf32, #tpu.memory_space<hbm>> -> memref<1000000x32xf32, #tpu.memory_space<hbm>>
        tpu.enqueue_indirect_dma source(%dma_start3A_219 : memref<1000000x32xf32, #tpu.memory_space<hbm>>) target(%dma_start3A_214 : memref<80x32xf32, #tpu.memory_space<vmem>>) offsets(%dma_start3A_216 : memref<80xi32, #tpu.memory_space<vmem>>) semaphore(%arg12 : memref<!tpu.dma_semaphore, #tpu.memory_space<semaphore_mem>>)
        %dma_start3A_220 = arith.constant 240 : i32
        %dma_start3A_221 = arith.constant 0 : i32
        %dma_start3A_222 = tpu.memref_slice %arg9[%dma_start3A_220, %dma_start3A_221] : memref<800x32xf32, #tpu.memory_space<vmem>> -> memref<80x32xf32, #tpu.memory_space<vmem>>
        %dma_start3A_223 = arith.constant 240 : i32
        %dma_start3A_224 = tpu.memref_slice %arg7[%dma_start3A_223] : memref<800xi32, #tpu.memory_space<vmem>> -> memref<80xi32, #tpu.memory_space<vmem>>
        %dma_start3A_225 = arith.constant 0 : i32
        %dma_start3A_226 = arith.constant 0 : i32
        %dma_start3A_227 = tpu.memref_slice %arg3[%dma_start3A_225, %dma_start3A_226] : memref<1000000x32xf32, #tpu.memory_space<hbm>> -> memref<1000000x32xf32, #tpu.memory_space<hbm>>
        tpu.enqueue_indirect_dma source(%dma_start3A_227 : memref<1000000x32xf32, #tpu.memory_space<hbm>>) target(%dma_start3A_222 : memref<80x32xf32, #tpu.memory_space<vmem>>) offsets(%dma_start3A_224 : memref<80xi32, #tpu.memory_space<vmem>>) semaphore(%arg12 : memref<!tpu.dma_semaphore, #tpu.memory_space<semaphore_mem>>)
        %dma_start3A_228 = arith.constant 320 : i32
        %dma_start3A_229 = arith.constant 0 : i32
        %dma_start3A_230 = tpu.memref_slice %arg9[%dma_start3A_228, %dma_start3A_229] : memref<800x32xf32, #tpu.memory_space<vmem>> -> memref<80x32xf32, #tpu.memory_space<vmem>>
        %dma_start3A_231 = arith.constant 320 : i32
        %dma_start3A_232 = tpu.memref_slice %arg7[%dma_start3A_231] : memref<800xi32, #tpu.memory_space<vmem>> -> memref<80xi32, #tpu.memory_space<vmem>>
        %dma_start3A_233 = arith.constant 0 : i32
        %dma_start3A_234 = arith.constant 0 : i32
        %dma_start3A_235 = tpu.memref_slice %arg3[%dma_start3A_233, %dma_start3A_234] : memref<1000000x32xf32, #tpu.memory_space<hbm>> -> memref<1000000x32xf32, #tpu.memory_space<hbm>>
        tpu.enqueue_indirect_dma source(%dma_start3A_235 : memref<1000000x32xf32, #tpu.memory_space<hbm>>) target(%dma_start3A_230 : memref<80x32xf32, #tpu.memory_space<vmem>>) offsets(%dma_start3A_232 : memref<80xi32, #tpu.memory_space<vmem>>) semaphore(%arg12 : memref<!tpu.dma_semaphore, #tpu.memory_space<semaphore_mem>>)
        %dma_start3A_236 = arith.constant 400 : i32
        %dma_start3A_237 = arith.constant 0 : i32
        %dma_start3A_238 = tpu.memref_slice %arg9[%dma_start3A_236, %dma_start3A_237] : memref<800x32xf32, #tpu.memory_space<vmem>> -> memref<80x32xf32, #tpu.memory_space<vmem>>
        %dma_start3A_239 = arith.constant 400 : i32
        %dma_start3A_240 = tpu.memref_slice %arg7[%dma_start3A_239] : memref<800xi32, #tpu.memory_space<vmem>> -> memref<80xi32, #tpu.memory_space<vmem>>
        %dma_start3A_241 = arith.constant 0 : i32
        %dma_start3A_242 = arith.constant 0 : i32
        %dma_start3A_243 = tpu.memref_slice %arg3[%dma_start3A_241, %dma_start3A_242] : memref<1000000x32xf32, #tpu.memory_space<hbm>> -> memref<1000000x32xf32, #tpu.memory_space<hbm>>
        tpu.enqueue_indirect_dma source(%dma_start3A_243 : memref<1000000x32xf32, #tpu.memory_space<hbm>>) target(%dma_start3A_238 : memref<80x32xf32, #tpu.memory_space<vmem>>) offsets(%dma_start3A_240 : memref<80xi32, #tpu.memory_space<vmem>>) semaphore(%arg12 : memref<!tpu.dma_semaphore, #tpu.memory_space<semaphore_mem>>)
        %dma_start3A_244 = arith.constant 480 : i32
        %dma_start3A_245 = arith.constant 0 : i32
        %dma_start3A_246 = tpu.memref_slice %arg9[%dma_start3A_244, %dma_start3A_245] : memref<800x32xf32, #tpu.memory_space<vmem>> -> memref<80x32xf32, #tpu.memory_space<vmem>>
        %dma_start3A_247 = arith.constant 480 : i32
        %dma_start3A_248 = tpu.memref_slice %arg7[%dma_start3A_247] : memref<800xi32, #tpu.memory_space<vmem>> -> memref<80xi32, #tpu.memory_space<vmem>>
        %dma_start3A_249 = arith.constant 0 : i32
        %dma_start3A_250 = arith.constant 0 : i32
        %dma_start3A_251 = tpu.memref_slice %arg3[%dma_start3A_249, %dma_start3A_250] : memref<1000000x32xf32, #tpu.memory_space<hbm>> -> memref<1000000x32xf32, #tpu.memory_space<hbm>>
        tpu.enqueue_indirect_dma source(%dma_start3A_251 : memref<1000000x32xf32, #tpu.memory_space<hbm>>) target(%dma_start3A_246 : memref<80x32xf32, #tpu.memory_space<vmem>>) offsets(%dma_start3A_248 : memref<80xi32, #tpu.memory_space<vmem>>) semaphore(%arg12 : memref<!tpu.dma_semaphore, #tpu.memory_space<semaphore_mem>>)
        %dma_start3A_252 = arith.constant 560 : i32
        %dma_start3A_253 = arith.constant 0 : i32
        %dma_start3A_254 = tpu.memref_slice %arg9[%dma_start3A_252, %dma_start3A_253] : memref<800x32xf32, #tpu.memory_space<vmem>> -> memref<80x32xf32, #tpu.memory_space<vmem>>
        %dma_start3A_255 = arith.constant 560 : i32
        %dma_start3A_256 = tpu.memref_slice %arg7[%dma_start3A_255] : memref<800xi32, #tpu.memory_space<vmem>> -> memref<80xi32, #tpu.memory_space<vmem>>
        %dma_start3A_257 = arith.constant 0 : i32
        %dma_start3A_258 = arith.constant 0 : i32
        %dma_start3A_259 = tpu.memref_slice %arg3[%dma_start3A_257, %dma_start3A_258] : memref<1000000x32xf32, #tpu.memory_space<hbm>> -> memref<1000000x32xf32, #tpu.memory_space<hbm>>
        tpu.enqueue_indirect_dma source(%dma_start3A_259 : memref<1000000x32xf32, #tpu.memory_space<hbm>>) target(%dma_start3A_254 : memref<80x32xf32, #tpu.memory_space<vmem>>) offsets(%dma_start3A_256 : memref<80xi32, #tpu.memory_space<vmem>>) semaphore(%arg12 : memref<!tpu.dma_semaphore, #tpu.memory_space<semaphore_mem>>)
        %dma_start3A_260 = arith.constant 640 : i32
        %dma_start3A_261 = arith.constant 0 : i32
        %dma_start3A_262 = tpu.memref_slice %arg9[%dma_start3A_260, %dma_start3A_261] : memref<800x32xf32, #tpu.memory_space<vmem>> -> memref<80x32xf32, #tpu.memory_space<vmem>>
        %dma_start3A_263 = arith.constant 640 : i32
        %dma_start3A_264 = tpu.memref_slice %arg7[%dma_start3A_263] : memref<800xi32, #tpu.memory_space<vmem>> -> memref<80xi32, #tpu.memory_space<vmem>>
        %dma_start3A_265 = arith.constant 0 : i32
        %dma_start3A_266 = arith.constant 0 : i32
        %dma_start3A_267 = tpu.memref_slice %arg3[%dma_start3A_265, %dma_start3A_266] : memref<1000000x32xf32, #tpu.memory_space<hbm>> -> memref<1000000x32xf32, #tpu.memory_space<hbm>>
        tpu.enqueue_indirect_dma source(%dma_start3A_267 : memref<1000000x32xf32, #tpu.memory_space<hbm>>) target(%dma_start3A_262 : memref<80x32xf32, #tpu.memory_space<vmem>>) offsets(%dma_start3A_264 : memref<80xi32, #tpu.memory_space<vmem>>) semaphore(%arg12 : memref<!tpu.dma_semaphore, #tpu.memory_space<semaphore_mem>>)
        %dma_start3A_268 = arith.constant 720 : i32
        %dma_start3A_269 = arith.constant 0 : i32
        %dma_start3A_270 = tpu.memref_slice %arg9[%dma_start3A_268, %dma_start3A_269] : memref<800x32xf32, #tpu.memory_space<vmem>> -> memref<80x32xf32, #tpu.memory_space<vmem>>
        %dma_start3A_271 = arith.constant 720 : i32
        %dma_start3A_272 = tpu.memref_slice %arg7[%dma_start3A_271] : memref<800xi32, #tpu.memory_space<vmem>> -> memref<80xi32, #tpu.memory_space<vmem>>
        %dma_start3A_273 = arith.constant 0 : i32
        %dma_start3A_274 = arith.constant 0 : i32
        %dma_start3A_275 = tpu.memref_slice %arg3[%dma_start3A_273, %dma_start3A_274] : memref<1000000x32xf32, #tpu.memory_space<hbm>> -> memref<1000000x32xf32, #tpu.memory_space<hbm>>
        tpu.enqueue_indirect_dma source(%dma_start3A_275 : memref<1000000x32xf32, #tpu.memory_space<hbm>>) target(%dma_start3A_270 : memref<80x32xf32, #tpu.memory_space<vmem>>) offsets(%dma_start3A_272 : memref<80xi32, #tpu.memory_space<vmem>>) semaphore(%arg12 : memref<!tpu.dma_semaphore, #tpu.memory_space<semaphore_mem>>)
      } else {
      }
      %dma_wait3A_122 = arith.constant 0 : i32
      %dma_wait3A_123 = arith.constant 0 : i32
      %dma_wait3A_124 = tpu.memref_slice %arg5[%dma_wait3A_122, %dma_wait3A_123] : memref<819200x32xf32, #tpu.memory_space<hbm>> -> memref<800x32xf32, #tpu.memory_space<hbm>>
      %dma_wait3A_125 = arith.constant 0 : i32
      %dma_wait3A_126 = arith.constant 0 : i32
      %dma_wait3A_127 = tpu.memref_slice %arg5[%dma_wait3A_125, %dma_wait3A_126] : memref<819200x32xf32, #tpu.memory_space<hbm>> -> memref<800x32xf32, #tpu.memory_space<hbm>>
      tpu.wait_dma2 semaphore(%arg11 : memref<!tpu.dma_semaphore, #tpu.memory_space<semaphore_mem>>) src(%dma_wait3A_127 : memref<800x32xf32, #tpu.memory_space<hbm>>) dst(%arg8 : memref<800x32xf32, #tpu.memory_space<vmem>>)
      %add3A_128 = arith.constant 2 : i32
      %add3A_129 = arith.addi %add3A_106, %add3A_128 : i32
      %lt3A_130 = arith.constant 32 : i32
      %lt3A_131 = arith.cmpi slt, %add3A_129, %lt3A_130 : i32
      %convert_element_type3A_132 = arith.extui %lt3A_131 : i1 to i32
      %cond3A_133 = arith.constant 0 : i32
      %cond3A_134 = arith.cmpi ne, %convert_element_type3A_132, %cond3A_133 : i32
      scf.if %cond3A_134 {
        %add3A_192 = arith.constant 1600 : i32
        %add3A_193 = arith.addi %add3A_109, %add3A_192 : i32
        %dma_start3A_194 = tpu.memref_slice %arg2[%add3A_193] : memref<819200xi32, #tpu.memory_space<hbm>> -> memref<800xi32, #tpu.memory_space<hbm>>
        %dma_start3A_195 = tpu.memref_slice %arg2[%add3A_193] : memref<819200xi32, #tpu.memory_space<hbm>> -> memref<800xi32, #tpu.memory_space<hbm>>
        tpu.enqueue_dma source(%dma_start3A_195 : memref<800xi32, #tpu.memory_space<hbm>>) target(%arg6 : memref<800xi32, #tpu.memory_space<vmem>>) target_semaphore(%arg13 : memref<!tpu.dma_semaphore, #tpu.memory_space<semaphore_mem>>)
      } else {
      }
      %scan3A_135 = arith.constant 0 : i32
      %scan3A_136 = arith.constant 0 : i32
      %scan3A_137 = arith.constant 25 : i32
      %scan3A_138 = arith.addi %scan3A_136, %scan3A_137 : i32
      %scan3A_139 = arith.constant 1 : i32
      scf.for %scan3A_192 = %scan3A_136 to %scan3A_138 step %scan3A_139  : i32 {
        %mul3A_193 = arith.constant 8 : i32
        %mul3A_194 = arith.muli %scan3A_192, %mul3A_193 : i32
        %add3A_195 = arith.constant 0 : i32
        %add3A_196 = arith.addi %mul3A_194, %add3A_195 : i32
        %get3A = arith.index_cast %add3A_196 : i32 to index
        %get3A_197 = arith.constant 0 : index
        %get3A_198 = tpu.vector_load %arg10[%get3A, %get3A_197] {strides = array<i32>} : memref<200x32xf32, #tpu.memory_space<vmem>>, vector<1x16xf32>,
        %get3A_199 = vector.shape_cast %get3A_198 : vector<1x16xf32> to vector<16xf32>
        %get3A_200 = arith.index_cast %add3A_196 : i32 to index
        %get3A_201 = arith.constant 16 : index
        %get3A_202 = tpu.vector_load %arg10[%get3A_200, %get3A_201] {strides = array<i32>} : memref<200x32xf32, #tpu.memory_space<vmem>>, vector<1x16xf32>,
        %get3A_203 = vector.shape_cast %get3A_202 : vector<1x16xf32> to vector<16xf32>
        %add3A_204 = arith.constant 0 : i32
        %add3A_205 = arith.addi %add3A_204, %add3A_196 : i32
        %swap3A = arith.index_cast %add3A_205 : i32 to index
        %swap3A_206 = arith.constant 0 : index
        %swap3A_207 = tpu.vector_load %arg8[%swap3A, %swap3A_206] {strides = array<i32>} : memref<800x32xf32, #tpu.memory_space<vmem>>, vector<1x16xf32>,
        %swap3A_208 = vector.shape_cast %swap3A_207 : vector<1x16xf32> to vector<16xf32>
        %swap3A_209 = vector.shape_cast %get3A_199 : vector<16xf32> to vector<1x16xf32>
        tpu.vector_store %arg8[%swap3A, %swap3A_206], %swap3A_209 {add = true, strides = array<i32>} : memref<800x32xf32, #tpu.memory_space<vmem>>, vector<1x16xf32>,
        %swap3A_210 = arith.index_cast %add3A_205 : i32 to index
        %swap3A_211 = arith.constant 16 : index
        %swap3A_212 = tpu.vector_load %arg8[%swap3A_210, %swap3A_211] {strides = array<i32>} : memref<800x32xf32, #tpu.memory_space<vmem>>, vector<1x16xf32>,
        %swap3A_213 = vector.shape_cast %swap3A_212 : vector<1x16xf32> to vector<16xf32>
        %swap3A_214 = vector.shape_cast %get3A_203 : vector<16xf32> to vector<1x16xf32>
        tpu.vector_store %arg8[%swap3A_210, %swap3A_211], %swap3A_214 {add = true, strides = array<i32>} : memref<800x32xf32, #tpu.memory_space<vmem>>, vector<1x16xf32>,
        %add3A_215 = arith.constant 200 : i32
        %add3A_216 = arith.addi %add3A_215, %add3A_196 : i32
        %swap3A_217 = arith.index_cast %add3A_216 : i32 to index
        %swap3A_218 = arith.constant 0 : index
        %swap3A_219 = tpu.vector_load %arg8[%swap3A_217, %swap3A_218] {strides = array<i32>} : memref<800x32xf32, #tpu.memory_space<vmem>>, vector<1x16xf32>,
        %swap3A_220 = vector.shape_cast %swap3A_219 : vector<1x16xf32> to vector<16xf32>
        %swap3A_221 = vector.shape_cast %get3A_199 : vector<16xf32> to vector<1x16xf32>
        tpu.vector_store %arg8[%swap3A_217, %swap3A_218], %swap3A_221 {add = true, strides = array<i32>} : memref<800x32xf32, #tpu.memory_space<vmem>>, vector<1x16xf32>,
        %swap3A_222 = arith.index_cast %add3A_216 : i32 to index
        %swap3A_223 = arith.constant 16 : index
        %swap3A_224 = tpu.vector_load %arg8[%swap3A_222, %swap3A_223] {strides = array<i32>} : memref<800x32xf32, #tpu.memory_space<vmem>>, vector<1x16xf32>,
        %swap3A_225 = vector.shape_cast %swap3A_224 : vector<1x16xf32> to vector<16xf32>
        %swap3A_226 = vector.shape_cast %get3A_203 : vector<16xf32> to vector<1x16xf32>
        tpu.vector_store %arg8[%swap3A_222, %swap3A_223], %swap3A_226 {add = true, strides = array<i32>} : memref<800x32xf32, #tpu.memory_space<vmem>>, vector<1x16xf32>,
        %add3A_227 = arith.constant 400 : i32
        %add3A_228 = arith.addi %add3A_227, %add3A_196 : i32
        %swap3A_229 = arith.index_cast %add3A_228 : i32 to index
        %swap3A_230 = arith.constant 0 : index
        %swap3A_231 = tpu.vector_load %arg8[%swap3A_229, %swap3A_230] {strides = array<i32>} : memref<800x32xf32, #tpu.memory_space<vmem>>, vector<1x16xf32>,
        %swap3A_232 = vector.shape_cast %swap3A_231 : vector<1x16xf32> to vector<16xf32>
        %swap3A_233 = vector.shape_cast %get3A_199 : vector<16xf32> to vector<1x16xf32>
        tpu.vector_store %arg8[%swap3A_229, %swap3A_230], %swap3A_233 {add = true, strides = array<i32>} : memref<800x32xf32, #tpu.memory_space<vmem>>, vector<1x16xf32>,
        %swap3A_234 = arith.index_cast %add3A_228 : i32 to index
        %swap3A_235 = arith.constant 16 : index
        %swap3A_236 = tpu.vector_load %arg8[%swap3A_234, %swap3A_235] {strides = array<i32>} : memref<800x32xf32, #tpu.memory_space<vmem>>, vector<1x16xf32>,
        %swap3A_237 = vector.shape_cast %swap3A_236 : vector<1x16xf32> to vector<16xf32>
        %swap3A_238 = vector.shape_cast %get3A_203 : vector<16xf32> to vector<1x16xf32>
        tpu.vector_store %arg8[%swap3A_234, %swap3A_235], %swap3A_238 {add = true, strides = array<i32>} : memref<800x32xf32, #tpu.memory_space<vmem>>, vector<1x16xf32>,
        %add3A_239 = arith.constant 600 : i32
        %add3A_240 = arith.addi %add3A_239, %add3A_196 : i32
        %swap3A_241 = arith.index_cast %add3A_240 : i32 to index
        %swap3A_242 = arith.constant 0 : index
        %swap3A_243 = tpu.vector_load %arg8[%swap3A_241, %swap3A_242] {strides = array<i32>} : memref<800x32xf32, #tpu.memory_space<vmem>>, vector<1x16xf32>,
        %swap3A_244 = vector.shape_cast %swap3A_243 : vector<1x16xf32> to vector<16xf32>
        %swap3A_245 = vector.shape_cast %get3A_199 : vector<16xf32> to vector<1x16xf32>
        tpu.vector_store %arg8[%swap3A_241, %swap3A_242], %swap3A_245 {add = true, strides = array<i32>} : memref<800x32xf32, #tpu.memory_space<vmem>>, vector<1x16xf32>,
        %swap3A_246 = arith.index_cast %add3A_240 : i32 to index
        %swap3A_247 = arith.constant 16 : index
        %swap3A_248 = tpu.vector_load %arg8[%swap3A_246, %swap3A_247] {strides = array<i32>} : memref<800x32xf32, #tpu.memory_space<vmem>>, vector<1x16xf32>,
        %swap3A_249 = vector.shape_cast %swap3A_248 : vector<1x16xf32> to vector<16xf32>
        %swap3A_250 = vector.shape_cast %get3A_203 : vector<16xf32> to vector<1x16xf32>
        tpu.vector_store %arg8[%swap3A_246, %swap3A_247], %swap3A_250 {add = true, strides = array<i32>} : memref<800x32xf32, #tpu.memory_space<vmem>>, vector<1x16xf32>,
        %mul3A_251 = arith.constant 8 : i32
        %mul3A_252 = arith.muli %scan3A_192, %mul3A_251 : i32
        %add3A_253 = arith.constant 1 : i32
        %add3A_254 = arith.addi %mul3A_252, %add3A_253 : i32
        %get3A_255 = arith.index_cast %add3A_254 : i32 to index
        %get3A_256 = arith.constant 0 : index
        %get3A_257 = tpu.vector_load %arg10[%get3A_255, %get3A_256] {strides = array<i32>} : memref<200x32xf32, #tpu.memory_space<vmem>>, vector<1x16xf32>,
        %get3A_258 = vector.shape_cast %get3A_257 : vector<1x16xf32> to vector<16xf32>
        %get3A_259 = arith.index_cast %add3A_254 : i32 to index
        %get3A_260 = arith.constant 16 : index
        %get3A_261 = tpu.vector_load %arg10[%get3A_259, %get3A_260] {strides = array<i32>} : memref<200x32xf32, #tpu.memory_space<vmem>>, vector<1x16xf32>,
        %get3A_262 = vector.shape_cast %get3A_261 : vector<1x16xf32> to vector<16xf32>
        %add3A_263 = arith.constant 0 : i32
        %add3A_264 = arith.addi %add3A_263, %add3A_254 : i32
        %swap3A_265 = arith.index_cast %add3A_264 : i32 to index
        %swap3A_266 = arith.constant 0 : index
        %swap3A_267 = tpu.vector_load %arg8[%swap3A_265, %swap3A_266] {strides = array<i32>} : memref<800x32xf32, #tpu.memory_space<vmem>>, vector<1x16xf32>,
        %swap3A_268 = vector.shape_cast %swap3A_267 : vector<1x16xf32> to vector<16xf32>
        %swap3A_269 = vector.shape_cast %get3A_258 : vector<16xf32> to vector<1x16xf32>
        tpu.vector_store %arg8[%swap3A_265, %swap3A_266], %swap3A_269 {add = true, strides = array<i32>} : memref<800x32xf32, #tpu.memory_space<vmem>>, vector<1x16xf32>,
        %swap3A_270 = arith.index_cast %add3A_264 : i32 to index
        %swap3A_271 = arith.constant 16 : index
        %swap3A_272 = tpu.vector_load %arg8[%swap3A_270, %swap3A_271] {strides = array<i32>} : memref<800x32xf32, #tpu.memory_space<vmem>>, vector<1x16xf32>,
        %swap3A_273 = vector.shape_cast %swap3A_272 : vector<1x16xf32> to vector<16xf32>
        %swap3A_274 = vector.shape_cast %get3A_262 : vector<16xf32> to vector<1x16xf32>
        tpu.vector_store %arg8[%swap3A_270, %swap3A_271], %swap3A_274 {add = true, strides = array<i32>} : memref<800x32xf32, #tpu.memory_space<vmem>>, vector<1x16xf32>,
        %add3A_275 = arith.constant 200 : i32
        %add3A_276 = arith.addi %add3A_275, %add3A_254 : i32
        %swap3A_277 = arith.index_cast %add3A_276 : i32 to index
        %swap3A_278 = arith.constant 0 : index
        %swap3A_279 = tpu.vector_load %arg8[%swap3A_277, %swap3A_278] {strides = array<i32>} : memref<800x32xf32, #tpu.memory_space<vmem>>, vector<1x16xf32>,
        %swap3A_280 = vector.shape_cast %swap3A_279 : vector<1x16xf32> to vector<16xf32>
        %swap3A_281 = vector.shape_cast %get3A_258 : vector<16xf32> to vector<1x16xf32>
        tpu.vector_store %arg8[%swap3A_277, %swap3A_278], %swap3A_281 {add = true, strides = array<i32>} : memref<800x32xf32, #tpu.memory_space<vmem>>, vector<1x16xf32>,
        %swap3A_282 = arith.index_cast %add3A_276 : i32 to index
        %swap3A_283 = arith.constant 16 : index
        %swap3A_284 = tpu.vector_load %arg8[%swap3A_282, %swap3A_283] {strides = array<i32>} : memref<800x32xf32, #tpu.memory_space<vmem>>, vector<1x16xf32>,
        %swap3A_285 = vector.shape_cast %swap3A_284 : vector<1x16xf32> to vector<16xf32>
        %swap3A_286 = vector.shape_cast %get3A_262 : vector<16xf32> to vector<1x16xf32>
        tpu.vector_store %arg8[%swap3A_282, %swap3A_283], %swap3A_286 {add = true, strides = array<i32>} : memref<800x32xf32, #tpu.memory_space<vmem>>, vector<1x16xf32>,
        %add3A_287 = arith.constant 400 : i32
        %add3A_288 = arith.addi %add3A_287, %add3A_254 : i32
        %swap3A_289 = arith.index_cast %add3A_288 : i32 to index
        %swap3A_290 = arith.constant 0 : index
        %swap3A_291 = tpu.vector_load %arg8[%swap3A_289, %swap3A_290] {strides = array<i32>} : memref<800x32xf32, #tpu.memory_space<vmem>>, vector<1x16xf32>,
        %swap3A_292 = vector.shape_cast %swap3A_291 : vector<1x16xf32> to vector<16xf32>
        %swap3A_293 = vector.shape_cast %get3A_258 : vector<16xf32> to vector<1x16xf32>
        tpu.vector_store %arg8[%swap3A_289, %swap3A_290], %swap3A_293 {add = true, strides = array<i32>} : memref<800x32xf32, #tpu.memory_space<vmem>>, vector<1x16xf32>,
        %swap3A_294 = arith.index_cast %add3A_288 : i32 to index
        %swap3A_295 = arith.constant 16 : index
        %swap3A_296 = tpu.vector_load %arg8[%swap3A_294, %swap3A_295] {strides = array<i32>} : memref<800x32xf32, #tpu.memory_space<vmem>>, vector<1x16xf32>,
        %swap3A_297 = vector.shape_cast %swap3A_296 : vector<1x16xf32> to vector<16xf32>
        %swap3A_298 = vector.shape_cast %get3A_262 : vector<16xf32> to vector<1x16xf32>
        tpu.vector_store %arg8[%swap3A_294, %swap3A_295], %swap3A_298 {add = true, strides = array<i32>} : memref<800x32xf32, #tpu.memory_space<vmem>>, vector<1x16xf32>,
        %add3A_299 = arith.constant 600 : i32
        %add3A_300 = arith.addi %add3A_299, %add3A_254 : i32
        %swap3A_301 = arith.index_cast %add3A_300 : i32 to index
        %swap3A_302 = arith.constant 0 : index
        %swap3A_303 = tpu.vector_load %arg8[%swap3A_301, %swap3A_302] {strides = array<i32>} : memref<800x32xf32, #tpu.memory_space<vmem>>, vector<1x16xf32>,
        %swap3A_304 = vector.shape_cast %swap3A_303 : vector<1x16xf32> to vector<16xf32>
        %swap3A_305 = vector.shape_cast %get3A_258 : vector<16xf32> to vector<1x16xf32>
        tpu.vector_store %arg8[%swap3A_301, %swap3A_302], %swap3A_305 {add = true, strides = array<i32>} : memref<800x32xf32, #tpu.memory_space<vmem>>, vector<1x16xf32>,
        %swap3A_306 = arith.index_cast %add3A_300 : i32 to index
        %swap3A_307 = arith.constant 16 : index
        %swap3A_308 = tpu.vector_load %arg8[%swap3A_306, %swap3A_307] {strides = array<i32>} : memref<800x32xf32, #tpu.memory_space<vmem>>, vector<1x16xf32>,
        %swap3A_309 = vector.shape_cast %swap3A_308 : vector<1x16xf32> to vector<16xf32>
        %swap3A_310 = vector.shape_cast %get3A_262 : vector<16xf32> to vector<1x16xf32>
        tpu.vector_store %arg8[%swap3A_306, %swap3A_307], %swap3A_310 {add = true, strides = array<i32>} : memref<800x32xf32, #tpu.memory_space<vmem>>, vector<1x16xf32>,
        %mul3A_311 = arith.constant 8 : i32
        %mul3A_312 = arith.muli %scan3A_192, %mul3A_311 : i32
        %add3A_313 = arith.constant 2 : i32
        %add3A_314 = arith.addi %mul3A_312, %add3A_313 : i32
        %get3A_315 = arith.index_cast %add3A_314 : i32 to index
        %get3A_316 = arith.constant 0 : index
        %get3A_317 = tpu.vector_load %arg10[%get3A_315, %get3A_316] {strides = array<i32>} : memref<200x32xf32, #tpu.memory_space<vmem>>, vector<1x16xf32>,
        %get3A_318 = vector.shape_cast %get3A_317 : vector<1x16xf32> to vector<16xf32>
        %get3A_319 = arith.index_cast %add3A_314 : i32 to index
        %get3A_320 = arith.constant 16 : index
        %get3A_321 = tpu.vector_load %arg10[%get3A_319, %get3A_320] {strides = array<i32>} : memref<200x32xf32, #tpu.memory_space<vmem>>, vector<1x16xf32>,
        %get3A_322 = vector.shape_cast %get3A_321 : vector<1x16xf32> to vector<16xf32>
        %add3A_323 = arith.constant 0 : i32
        %add3A_324 = arith.addi %add3A_323, %add3A_314 : i32
        %swap3A_325 = arith.index_cast %add3A_324 : i32 to index
        %swap3A_326 = arith.constant 0 : index
        %swap3A_327 = tpu.vector_load %arg8[%swap3A_325, %swap3A_326] {strides = array<i32>} : memref<800x32xf32, #tpu.memory_space<vmem>>, vector<1x16xf32>,
        %swap3A_328 = vector.shape_cast %swap3A_327 : vector<1x16xf32> to vector<16xf32>
        %swap3A_329 = vector.shape_cast %get3A_318 : vector<16xf32> to vector<1x16xf32>
        tpu.vector_store %arg8[%swap3A_325, %swap3A_326], %swap3A_329 {add = true, strides = array<i32>} : memref<800x32xf32, #tpu.memory_space<vmem>>, vector<1x16xf32>,
        %swap3A_330 = arith.index_cast %add3A_324 : i32 to index
        %swap3A_331 = arith.constant 16 : index
        %swap3A_332 = tpu.vector_load %arg8[%swap3A_330, %swap3A_331] {strides = array<i32>} : memref<800x32xf32, #tpu.memory_space<vmem>>, vector<1x16xf32>,
        %swap3A_333 = vector.shape_cast %swap3A_332 : vector<1x16xf32> to vector<16xf32>
        %swap3A_334 = vector.shape_cast %get3A_322 : vector<16xf32> to vector<1x16xf32>
        tpu.vector_store %arg8[%swap3A_330, %swap3A_331], %swap3A_334 {add = true, strides = array<i32>} : memref<800x32xf32, #tpu.memory_space<vmem>>, vector<1x16xf32>,
        %add3A_335 = arith.constant 200 : i32
        %add3A_336 = arith.addi %add3A_335, %add3A_314 : i32
        %swap3A_337 = arith.index_cast %add3A_336 : i32 to index
        %swap3A_338 = arith.constant 0 : index
        %swap3A_339 = tpu.vector_load %arg8[%swap3A_337, %swap3A_338] {strides = array<i32>} : memref<800x32xf32, #tpu.memory_space<vmem>>, vector<1x16xf32>,
        %swap3A_340 = vector.shape_cast %swap3A_339 : vector<1x16xf32> to vector<16xf32>
        %swap3A_341 = vector.shape_cast %get3A_318 : vector<16xf32> to vector<1x16xf32>
        tpu.vector_store %arg8[%swap3A_337, %swap3A_338], %swap3A_341 {add = true, strides = array<i32>} : memref<800x32xf32, #tpu.memory_space<vmem>>, vector<1x16xf32>,
        %swap3A_342 = arith.index_cast %add3A_336 : i32 to index
        %swap3A_343 = arith.constant 16 : index
        %swap3A_344 = tpu.vector_load %arg8[%swap3A_342, %swap3A_343] {strides = array<i32>} : memref<800x32xf32, #tpu.memory_space<vmem>>, vector<1x16xf32>,
        %swap3A_345 = vector.shape_cast %swap3A_344 : vector<1x16xf32> to vector<16xf32>
        %swap3A_346 = vector.shape_cast %get3A_322 : vector<16xf32> to vector<1x16xf32>
        tpu.vector_store %arg8[%swap3A_342, %swap3A_343], %swap3A_346 {add = true, strides = array<i32>} : memref<800x32xf32, #tpu.memory_space<vmem>>, vector<1x16xf32>,
        %add3A_347 = arith.constant 400 : i32
        %add3A_348 = arith.addi %add3A_347, %add3A_314 : i32
        %swap3A_349 = arith.index_cast %add3A_348 : i32 to index
        %swap3A_350 = arith.constant 0 : index
        %swap3A_351 = tpu.vector_load %arg8[%swap3A_349, %swap3A_350] {strides = array<i32>} : memref<800x32xf32, #tpu.memory_space<vmem>>, vector<1x16xf32>,
        %swap3A_352 = vector.shape_cast %swap3A_351 : vector<1x16xf32> to vector<16xf32>
        %swap3A_353 = vector.shape_cast %get3A_318 : vector<16xf32> to vector<1x16xf32>
        tpu.vector_store %arg8[%swap3A_349, %swap3A_350], %swap3A_353 {add = true, strides = array<i32>} : memref<800x32xf32, #tpu.memory_space<vmem>>, vector<1x16xf32>,
        %swap3A_354 = arith.index_cast %add3A_348 : i32 to index
        %swap3A_355 = arith.constant 16 : index
        %swap3A_356 = tpu.vector_load %arg8[%swap3A_354, %swap3A_355] {strides = array<i32>} : memref<800x32xf32, #tpu.memory_space<vmem>>, vector<1x16xf32>,
        %swap3A_357 = vector.shape_cast %swap3A_356 : vector<1x16xf32> to vector<16xf32>
        %swap3A_358 = vector.shape_cast %get3A_322 : vector<16xf32> to vector<1x16xf32>
        tpu.vector_store %arg8[%swap3A_354, %swap3A_355], %swap3A_358 {add = true, strides = array<i32>} : memref<800x32xf32, #tpu.memory_space<vmem>>, vector<1x16xf32>,
        %add3A_359 = arith.constant 600 : i32
        %add3A_360 = arith.addi %add3A_359, %add3A_314 : i32
        %swap3A_361 = arith.index_cast %add3A_360 : i32 to index
        %swap3A_362 = arith.constant 0 : index
        %swap3A_363 = tpu.vector_load %arg8[%swap3A_361, %swap3A_362] {strides = array<i32>} : memref<800x32xf32, #tpu.memory_space<vmem>>, vector<1x16xf32>,
        %swap3A_364 = vector.shape_cast %swap3A_363 : vector<1x16xf32> to vector<16xf32>
        %swap3A_365 = vector.shape_cast %get3A_318 : vector<16xf32> to vector<1x16xf32>
        tpu.vector_store %arg8[%swap3A_361, %swap3A_362], %swap3A_365 {add = true, strides = array<i32>} : memref<800x32xf32, #tpu.memory_space<vmem>>, vector<1x16xf32>,
        %swap3A_366 = arith.index_cast %add3A_360 : i32 to index
        %swap3A_367 = arith.constant 16 : index
        %swap3A_368 = tpu.vector_load %arg8[%swap3A_366, %swap3A_367] {strides = array<i32>} : memref<800x32xf32, #tpu.memory_space<vmem>>, vector<1x16xf32>,
        %swap3A_369 = vector.shape_cast %swap3A_368 : vector<1x16xf32> to vector<16xf32>
        %swap3A_370 = vector.shape_cast %get3A_322 : vector<16xf32> to vector<1x16xf32>
        tpu.vector_store %arg8[%swap3A_366, %swap3A_367], %swap3A_370 {add = true, strides = array<i32>} : memref<800x32xf32, #tpu.memory_space<vmem>>, vector<1x16xf32>,
        %mul3A_371 = arith.constant 8 : i32
        %mul3A_372 = arith.muli %scan3A_192, %mul3A_371 : i32
        %add3A_373 = arith.constant 3 : i32
        %add3A_374 = arith.addi %mul3A_372, %add3A_373 : i32
        %get3A_375 = arith.index_cast %add3A_374 : i32 to index
        %get3A_376 = arith.constant 0 : index
        %get3A_377 = tpu.vector_load %arg10[%get3A_375, %get3A_376] {strides = array<i32>} : memref<200x32xf32, #tpu.memory_space<vmem>>, vector<1x16xf32>,
        %get3A_378 = vector.shape_cast %get3A_377 : vector<1x16xf32> to vector<16xf32>
        %get3A_379 = arith.index_cast %add3A_374 : i32 to index
        %get3A_380 = arith.constant 16 : index
        %get3A_381 = tpu.vector_load %arg10[%get3A_379, %get3A_380] {strides = array<i32>} : memref<200x32xf32, #tpu.memory_space<vmem>>, vector<1x16xf32>,
        %get3A_382 = vector.shape_cast %get3A_381 : vector<1x16xf32> to vector<16xf32>
        %add3A_383 = arith.constant 0 : i32
        %add3A_384 = arith.addi %add3A_383, %add3A_374 : i32
        %swap3A_385 = arith.index_cast %add3A_384 : i32 to index
        %swap3A_386 = arith.constant 0 : index
        %swap3A_387 = tpu.vector_load %arg8[%swap3A_385, %swap3A_386] {strides = array<i32>} : memref<800x32xf32, #tpu.memory_space<vmem>>, vector<1x16xf32>,
        %swap3A_388 = vector.shape_cast %swap3A_387 : vector<1x16xf32> to vector<16xf32>
        %swap3A_389 = vector.shape_cast %get3A_378 : vector<16xf32> to vector<1x16xf32>
        tpu.vector_store %arg8[%swap3A_385, %swap3A_386], %swap3A_389 {add = true, strides = array<i32>} : memref<800x32xf32, #tpu.memory_space<vmem>>, vector<1x16xf32>,
        %swap3A_390 = arith.index_cast %add3A_384 : i32 to index
        %swap3A_391 = arith.constant 16 : index
        %swap3A_392 = tpu.vector_load %arg8[%swap3A_390, %swap3A_391] {strides = array<i32>} : memref<800x32xf32, #tpu.memory_space<vmem>>, vector<1x16xf32>,
        %swap3A_393 = vector.shape_cast %swap3A_392 : vector<1x16xf32> to vector<16xf32>
        %swap3A_394 = vector.shape_cast %get3A_382 : vector<16xf32> to vector<1x16xf32>
        tpu.vector_store %arg8[%swap3A_390, %swap3A_391], %swap3A_394 {add = true, strides = array<i32>} : memref<800x32xf32, #tpu.memory_space<vmem>>, vector<1x16xf32>,
        %add3A_395 = arith.constant 200 : i32
        %add3A_396 = arith.addi %add3A_395, %add3A_374 : i32
        %swap3A_397 = arith.index_cast %add3A_396 : i32 to index
        %swap3A_398 = arith.constant 0 : index
        %swap3A_399 = tpu.vector_load %arg8[%swap3A_397, %swap3A_398] {strides = array<i32>} : memref<800x32xf32, #tpu.memory_space<vmem>>, vector<1x16xf32>,
        %swap3A_400 = vector.shape_cast %swap3A_399 : vector<1x16xf32> to vector<16xf32>
        %swap3A_401 = vector.shape_cast %get3A_378 : vector<16xf32> to vector<1x16xf32>
        tpu.vector_store %arg8[%swap3A_397, %swap3A_398], %swap3A_401 {add = true, strides = array<i32>} : memref<800x32xf32, #tpu.memory_space<vmem>>, vector<1x16xf32>,
        %swap3A_402 = arith.index_cast %add3A_396 : i32 to index
        %swap3A_403 = arith.constant 16 : index
        %swap3A_404 = tpu.vector_load %arg8[%swap3A_402, %swap3A_403] {strides = array<i32>} : memref<800x32xf32, #tpu.memory_space<vmem>>, vector<1x16xf32>,
        %swap3A_405 = vector.shape_cast %swap3A_404 : vector<1x16xf32> to vector<16xf32>
        %swap3A_406 = vector.shape_cast %get3A_382 : vector<16xf32> to vector<1x16xf32>
        tpu.vector_store %arg8[%swap3A_402, %swap3A_403], %swap3A_406 {add = true, strides = array<i32>} : memref<800x32xf32, #tpu.memory_space<vmem>>, vector<1x16xf32>,
        %add3A_407 = arith.constant 400 : i32
        %add3A_408 = arith.addi %add3A_407, %add3A_374 : i32
        %swap3A_409 = arith.index_cast %add3A_408 : i32 to index
        %swap3A_410 = arith.constant 0 : index
        %swap3A_411 = tpu.vector_load %arg8[%swap3A_409, %swap3A_410] {strides = array<i32>} : memref<800x32xf32, #tpu.memory_space<vmem>>, vector<1x16xf32>,
        %swap3A_412 = vector.shape_cast %swap3A_411 : vector<1x16xf32> to vector<16xf32>
        %swap3A_413 = vector.shape_cast %get3A_378 : vector<16xf32> to vector<1x16xf32>
        tpu.vector_store %arg8[%swap3A_409, %swap3A_410], %swap3A_413 {add = true, strides = array<i32>} : memref<800x32xf32, #tpu.memory_space<vmem>>, vector<1x16xf32>,
        %swap3A_414 = arith.index_cast %add3A_408 : i32 to index
        %swap3A_415 = arith.constant 16 : index
        %swap3A_416 = tpu.vector_load %arg8[%swap3A_414, %swap3A_415] {strides = array<i32>} : memref<800x32xf32, #tpu.memory_space<vmem>>, vector<1x16xf32>,
        %swap3A_417 = vector.shape_cast %swap3A_416 : vector<1x16xf32> to vector<16xf32>
        %swap3A_418 = vector.shape_cast %get3A_382 : vector<16xf32> to vector<1x16xf32>
        tpu.vector_store %arg8[%swap3A_414, %swap3A_415], %swap3A_418 {add = true, strides = array<i32>} : memref<800x32xf32, #tpu.memory_space<vmem>>, vector<1x16xf32>,
        %add3A_419 = arith.constant 600 : i32
        %add3A_420 = arith.addi %add3A_419, %add3A_374 : i32
        %swap3A_421 = arith.index_cast %add3A_420 : i32 to index
        %swap3A_422 = arith.constant 0 : index
        %swap3A_423 = tpu.vector_load %arg8[%swap3A_421, %swap3A_422] {strides = array<i32>} : memref<800x32xf32, #tpu.memory_space<vmem>>, vector<1x16xf32>,
        %swap3A_424 = vector.shape_cast %swap3A_423 : vector<1x16xf32> to vector<16xf32>
        %swap3A_425 = vector.shape_cast %get3A_378 : vector<16xf32> to vector<1x16xf32>
        tpu.vector_store %arg8[%swap3A_421, %swap3A_422], %swap3A_425 {add = true, strides = array<i32>} : memref<800x32xf32, #tpu.memory_space<vmem>>, vector<1x16xf32>,
        %swap3A_426 = arith.index_cast %add3A_420 : i32 to index
        %swap3A_427 = arith.constant 16 : index
        %swap3A_428 = tpu.vector_load %arg8[%swap3A_426, %swap3A_427] {strides = array<i32>} : memref<800x32xf32, #tpu.memory_space<vmem>>, vector<1x16xf32>,
        %swap3A_429 = vector.shape_cast %swap3A_428 : vector<1x16xf32> to vector<16xf32>
        %swap3A_430 = vector.shape_cast %get3A_382 : vector<16xf32> to vector<1x16xf32>
        tpu.vector_store %arg8[%swap3A_426, %swap3A_427], %swap3A_430 {add = true, strides = array<i32>} : memref<800x32xf32, #tpu.memory_space<vmem>>, vector<1x16xf32>,
        %mul3A_431 = arith.constant 8 : i32
        %mul3A_432 = arith.muli %scan3A_192, %mul3A_431 : i32
        %add3A_433 = arith.constant 4 : i32
        %add3A_434 = arith.addi %mul3A_432, %add3A_433 : i32
        %get3A_435 = arith.index_cast %add3A_434 : i32 to index
        %get3A_436 = arith.constant 0 : index
        %get3A_437 = tpu.vector_load %arg10[%get3A_435, %get3A_436] {strides = array<i32>} : memref<200x32xf32, #tpu.memory_space<vmem>>, vector<1x16xf32>,
        %get3A_438 = vector.shape_cast %get3A_437 : vector<1x16xf32> to vector<16xf32>
        %get3A_439 = arith.index_cast %add3A_434 : i32 to index
        %get3A_440 = arith.constant 16 : index
        %get3A_441 = tpu.vector_load %arg10[%get3A_439, %get3A_440] {strides = array<i32>} : memref<200x32xf32, #tpu.memory_space<vmem>>, vector<1x16xf32>,
        %get3A_442 = vector.shape_cast %get3A_441 : vector<1x16xf32> to vector<16xf32>
        %add3A_443 = arith.constant 0 : i32
        %add3A_444 = arith.addi %add3A_443, %add3A_434 : i32
        %swap3A_445 = arith.index_cast %add3A_444 : i32 to index
        %swap3A_446 = arith.constant 0 : index
        %swap3A_447 = tpu.vector_load %arg8[%swap3A_445, %swap3A_446] {strides = array<i32>} : memref<800x32xf32, #tpu.memory_space<vmem>>, vector<1x16xf32>,
        %swap3A_448 = vector.shape_cast %swap3A_447 : vector<1x16xf32> to vector<16xf32>
        %swap3A_449 = vector.shape_cast %get3A_438 : vector<16xf32> to vector<1x16xf32>
        tpu.vector_store %arg8[%swap3A_445, %swap3A_446], %swap3A_449 {add = true, strides = array<i32>} : memref<800x32xf32, #tpu.memory_space<vmem>>, vector<1x16xf32>,
        %swap3A_450 = arith.index_cast %add3A_444 : i32 to index
        %swap3A_451 = arith.constant 16 : index
        %swap3A_452 = tpu.vector_load %arg8[%swap3A_450, %swap3A_451] {strides = array<i32>} : memref<800x32xf32, #tpu.memory_space<vmem>>, vector<1x16xf32>,
        %swap3A_453 = vector.shape_cast %swap3A_452 : vector<1x16xf32> to vector<16xf32>
        %swap3A_454 = vector.shape_cast %get3A_442 : vector<16xf32> to vector<1x16xf32>
        tpu.vector_store %arg8[%swap3A_450, %swap3A_451], %swap3A_454 {add = true, strides = array<i32>} : memref<800x32xf32, #tpu.memory_space<vmem>>, vector<1x16xf32>,
        %add3A_455 = arith.constant 200 : i32
        %add3A_456 = arith.addi %add3A_455, %add3A_434 : i32
        %swap3A_457 = arith.index_cast %add3A_456 : i32 to index
        %swap3A_458 = arith.constant 0 : index
        %swap3A_459 = tpu.vector_load %arg8[%swap3A_457, %swap3A_458] {strides = array<i32>} : memref<800x32xf32, #tpu.memory_space<vmem>>, vector<1x16xf32>,
        %swap3A_460 = vector.shape_cast %swap3A_459 : vector<1x16xf32> to vector<16xf32>
        %swap3A_461 = vector.shape_cast %get3A_438 : vector<16xf32> to vector<1x16xf32>
        tpu.vector_store %arg8[%swap3A_457, %swap3A_458], %swap3A_461 {add = true, strides = array<i32>} : memref<800x32xf32, #tpu.memory_space<vmem>>, vector<1x16xf32>,
        %swap3A_462 = arith.index_cast %add3A_456 : i32 to index
        %swap3A_463 = arith.constant 16 : index
        %swap3A_464 = tpu.vector_load %arg8[%swap3A_462, %swap3A_463] {strides = array<i32>} : memref<800x32xf32, #tpu.memory_space<vmem>>, vector<1x16xf32>,
        %swap3A_465 = vector.shape_cast %swap3A_464 : vector<1x16xf32> to vector<16xf32>
        %swap3A_466 = vector.shape_cast %get3A_442 : vector<16xf32> to vector<1x16xf32>
        tpu.vector_store %arg8[%swap3A_462, %swap3A_463], %swap3A_466 {add = true, strides = array<i32>} : memref<800x32xf32, #tpu.memory_space<vmem>>, vector<1x16xf32>,
        %add3A_467 = arith.constant 400 : i32
        %add3A_468 = arith.addi %add3A_467, %add3A_434 : i32
        %swap3A_469 = arith.index_cast %add3A_468 : i32 to index
        %swap3A_470 = arith.constant 0 : index
        %swap3A_471 = tpu.vector_load %arg8[%swap3A_469, %swap3A_470] {strides = array<i32>} : memref<800x32xf32, #tpu.memory_space<vmem>>, vector<1x16xf32>,
        %swap3A_472 = vector.shape_cast %swap3A_471 : vector<1x16xf32> to vector<16xf32>
        %swap3A_473 = vector.shape_cast %get3A_438 : vector<16xf32> to vector<1x16xf32>
        tpu.vector_store %arg8[%swap3A_469, %swap3A_470], %swap3A_473 {add = true, strides = array<i32>} : memref<800x32xf32, #tpu.memory_space<vmem>>, vector<1x16xf32>,
        %swap3A_474 = arith.index_cast %add3A_468 : i32 to index
        %swap3A_475 = arith.constant 16 : index
        %swap3A_476 = tpu.vector_load %arg8[%swap3A_474, %swap3A_475] {strides = array<i32>} : memref<800x32xf32, #tpu.memory_space<vmem>>, vector<1x16xf32>,
        %swap3A_477 = vector.shape_cast %swap3A_476 : vector<1x16xf32> to vector<16xf32>
        %swap3A_478 = vector.shape_cast %get3A_442 : vector<16xf32> to vector<1x16xf32>
        tpu.vector_store %arg8[%swap3A_474, %swap3A_475], %swap3A_478 {add = true, strides = array<i32>} : memref<800x32xf32, #tpu.memory_space<vmem>>, vector<1x16xf32>,
        %add3A_479 = arith.constant 600 : i32
        %add3A_480 = arith.addi %add3A_479, %add3A_434 : i32
        %swap3A_481 = arith.index_cast %add3A_480 : i32 to index
        %swap3A_482 = arith.constant 0 : index
        %swap3A_483 = tpu.vector_load %arg8[%swap3A_481, %swap3A_482] {strides = array<i32>} : memref<800x32xf32, #tpu.memory_space<vmem>>, vector<1x16xf32>,
        %swap3A_484 = vector.shape_cast %swap3A_483 : vector<1x16xf32> to vector<16xf32>
        %swap3A_485 = vector.shape_cast %get3A_438 : vector<16xf32> to vector<1x16xf32>
        tpu.vector_store %arg8[%swap3A_481, %swap3A_482], %swap3A_485 {add = true, strides = array<i32>} : memref<800x32xf32, #tpu.memory_space<vmem>>, vector<1x16xf32>,
        %swap3A_486 = arith.index_cast %add3A_480 : i32 to index
        %swap3A_487 = arith.constant 16 : index
        %swap3A_488 = tpu.vector_load %arg8[%swap3A_486, %swap3A_487] {strides = array<i32>} : memref<800x32xf32, #tpu.memory_space<vmem>>, vector<1x16xf32>,
        %swap3A_489 = vector.shape_cast %swap3A_488 : vector<1x16xf32> to vector<16xf32>
        %swap3A_490 = vector.shape_cast %get3A_442 : vector<16xf32> to vector<1x16xf32>
        tpu.vector_store %arg8[%swap3A_486, %swap3A_487], %swap3A_490 {add = true, strides = array<i32>} : memref<800x32xf32, #tpu.memory_space<vmem>>, vector<1x16xf32>,
        %mul3A_491 = arith.constant 8 : i32
        %mul3A_492 = arith.muli %scan3A_192, %mul3A_491 : i32
        %add3A_493 = arith.constant 5 : i32
        %add3A_494 = arith.addi %mul3A_492, %add3A_493 : i32
        %get3A_495 = arith.index_cast %add3A_494 : i32 to index
        %get3A_496 = arith.constant 0 : index
        %get3A_497 = tpu.vector_load %arg10[%get3A_495, %get3A_496] {strides = array<i32>} : memref<200x32xf32, #tpu.memory_space<vmem>>, vector<1x16xf32>,
        %get3A_498 = vector.shape_cast %get3A_497 : vector<1x16xf32> to vector<16xf32>
        %get3A_499 = arith.index_cast %add3A_494 : i32 to index
        %get3A_500 = arith.constant 16 : index
        %get3A_501 = tpu.vector_load %arg10[%get3A_499, %get3A_500] {strides = array<i32>} : memref<200x32xf32, #tpu.memory_space<vmem>>, vector<1x16xf32>,
        %get3A_502 = vector.shape_cast %get3A_501 : vector<1x16xf32> to vector<16xf32>
        %add3A_503 = arith.constant 0 : i32
        %add3A_504 = arith.addi %add3A_503, %add3A_494 : i32
        %swap3A_505 = arith.index_cast %add3A_504 : i32 to index
        %swap3A_506 = arith.constant 0 : index
        %swap3A_507 = tpu.vector_load %arg8[%swap3A_505, %swap3A_506] {strides = array<i32>} : memref<800x32xf32, #tpu.memory_space<vmem>>, vector<1x16xf32>,
        %swap3A_508 = vector.shape_cast %swap3A_507 : vector<1x16xf32> to vector<16xf32>
        %swap3A_509 = vector.shape_cast %get3A_498 : vector<16xf32> to vector<1x16xf32>
        tpu.vector_store %arg8[%swap3A_505, %swap3A_506], %swap3A_509 {add = true, strides = array<i32>} : memref<800x32xf32, #tpu.memory_space<vmem>>, vector<1x16xf32>,
        %swap3A_510 = arith.index_cast %add3A_504 : i32 to index
        %swap3A_511 = arith.constant 16 : index
        %swap3A_512 = tpu.vector_load %arg8[%swap3A_510, %swap3A_511] {strides = array<i32>} : memref<800x32xf32, #tpu.memory_space<vmem>>, vector<1x16xf32>,
        %swap3A_513 = vector.shape_cast %swap3A_512 : vector<1x16xf32> to vector<16xf32>
        %swap3A_514 = vector.shape_cast %get3A_502 : vector<16xf32> to vector<1x16xf32>
        tpu.vector_store %arg8[%swap3A_510, %swap3A_511], %swap3A_514 {add = true, strides = array<i32>} : memref<800x32xf32, #tpu.memory_space<vmem>>, vector<1x16xf32>,
        %add3A_515 = arith.constant 200 : i32
        %add3A_516 = arith.addi %add3A_515, %add3A_494 : i32
        %swap3A_517 = arith.index_cast %add3A_516 : i32 to index
        %swap3A_518 = arith.constant 0 : index
        %swap3A_519 = tpu.vector_load %arg8[%swap3A_517, %swap3A_518] {strides = array<i32>} : memref<800x32xf32, #tpu.memory_space<vmem>>, vector<1x16xf32>,
        %swap3A_520 = vector.shape_cast %swap3A_519 : vector<1x16xf32> to vector<16xf32>
        %swap3A_521 = vector.shape_cast %get3A_498 : vector<16xf32> to vector<1x16xf32>
        tpu.vector_store %arg8[%swap3A_517, %swap3A_518], %swap3A_521 {add = true, strides = array<i32>} : memref<800x32xf32, #tpu.memory_space<vmem>>, vector<1x16xf32>,
        %swap3A_522 = arith.index_cast %add3A_516 : i32 to index
        %swap3A_523 = arith.constant 16 : index
        %swap3A_524 = tpu.vector_load %arg8[%swap3A_522, %swap3A_523] {strides = array<i32>} : memref<800x32xf32, #tpu.memory_space<vmem>>, vector<1x16xf32>,
        %swap3A_525 = vector.shape_cast %swap3A_524 : vector<1x16xf32> to vector<16xf32>
        %swap3A_526 = vector.shape_cast %get3A_502 : vector<16xf32> to vector<1x16xf32>
        tpu.vector_store %arg8[%swap3A_522, %swap3A_523], %swap3A_526 {add = true, strides = array<i32>} : memref<800x32xf32, #tpu.memory_space<vmem>>, vector<1x16xf32>,
        %add3A_527 = arith.constant 400 : i32
        %add3A_528 = arith.addi %add3A_527, %add3A_494 : i32
        %swap3A_529 = arith.index_cast %add3A_528 : i32 to index
        %swap3A_530 = arith.constant 0 : index
        %swap3A_531 = tpu.vector_load %arg8[%swap3A_529, %swap3A_530] {strides = array<i32>} : memref<800x32xf32, #tpu.memory_space<vmem>>, vector<1x16xf32>,
        %swap3A_532 = vector.shape_cast %swap3A_531 : vector<1x16xf32> to vector<16xf32>
        %swap3A_533 = vector.shape_cast %get3A_498 : vector<16xf32> to vector<1x16xf32>
        tpu.vector_store %arg8[%swap3A_529, %swap3A_530], %swap3A_533 {add = true, strides = array<i32>} : memref<800x32xf32, #tpu.memory_space<vmem>>, vector<1x16xf32>,
        %swap3A_534 = arith.index_cast %add3A_528 : i32 to index
        %swap3A_535 = arith.constant 16 : index
        %swap3A_536 = tpu.vector_load %arg8[%swap3A_534, %swap3A_535] {strides = array<i32>} : memref<800x32xf32, #tpu.memory_space<vmem>>, vector<1x16xf32>,
        %swap3A_537 = vector.shape_cast %swap3A_536 : vector<1x16xf32> to vector<16xf32>
        %swap3A_538 = vector.shape_cast %get3A_502 : vector<16xf32> to vector<1x16xf32>
        tpu.vector_store %arg8[%swap3A_534, %swap3A_535], %swap3A_538 {add = true, strides = array<i32>} : memref<800x32xf32, #tpu.memory_space<vmem>>, vector<1x16xf32>,
        %add3A_539 = arith.constant 600 : i32
        %add3A_540 = arith.addi %add3A_539, %add3A_494 : i32
        %swap3A_541 = arith.index_cast %add3A_540 : i32 to index
        %swap3A_542 = arith.constant 0 : index
        %swap3A_543 = tpu.vector_load %arg8[%swap3A_541, %swap3A_542] {strides = array<i32>} : memref<800x32xf32, #tpu.memory_space<vmem>>, vector<1x16xf32>,
        %swap3A_544 = vector.shape_cast %swap3A_543 : vector<1x16xf32> to vector<16xf32>
        %swap3A_545 = vector.shape_cast %get3A_498 : vector<16xf32> to vector<1x16xf32>
        tpu.vector_store %arg8[%swap3A_541, %swap3A_542], %swap3A_545 {add = true, strides = array<i32>} : memref<800x32xf32, #tpu.memory_space<vmem>>, vector<1x16xf32>,
        %swap3A_546 = arith.index_cast %add3A_540 : i32 to index
        %swap3A_547 = arith.constant 16 : index
        %swap3A_548 = tpu.vector_load %arg8[%swap3A_546, %swap3A_547] {strides = array<i32>} : memref<800x32xf32, #tpu.memory_space<vmem>>, vector<1x16xf32>,
        %swap3A_549 = vector.shape_cast %swap3A_548 : vector<1x16xf32> to vector<16xf32>
        %swap3A_550 = vector.shape_cast %get3A_502 : vector<16xf32> to vector<1x16xf32>
        tpu.vector_store %arg8[%swap3A_546, %swap3A_547], %swap3A_550 {add = true, strides = array<i32>} : memref<800x32xf32, #tpu.memory_space<vmem>>, vector<1x16xf32>,
        %mul3A_551 = arith.constant 8 : i32
        %mul3A_552 = arith.muli %scan3A_192, %mul3A_551 : i32
        %add3A_553 = arith.constant 6 : i32
        %add3A_554 = arith.addi %mul3A_552, %add3A_553 : i32
        %get3A_555 = arith.index_cast %add3A_554 : i32 to index
        %get3A_556 = arith.constant 0 : index
        %get3A_557 = tpu.vector_load %arg10[%get3A_555, %get3A_556] {strides = array<i32>} : memref<200x32xf32, #tpu.memory_space<vmem>>, vector<1x16xf32>,
        %get3A_558 = vector.shape_cast %get3A_557 : vector<1x16xf32> to vector<16xf32>
        %get3A_559 = arith.index_cast %add3A_554 : i32 to index
        %get3A_560 = arith.constant 16 : index
        %get3A_561 = tpu.vector_load %arg10[%get3A_559, %get3A_560] {strides = array<i32>} : memref<200x32xf32, #tpu.memory_space<vmem>>, vector<1x16xf32>,
        %get3A_562 = vector.shape_cast %get3A_561 : vector<1x16xf32> to vector<16xf32>
        %add3A_563 = arith.constant 0 : i32
        %add3A_564 = arith.addi %add3A_563, %add3A_554 : i32
        %swap3A_565 = arith.index_cast %add3A_564 : i32 to index
        %swap3A_566 = arith.constant 0 : index
        %swap3A_567 = tpu.vector_load %arg8[%swap3A_565, %swap3A_566] {strides = array<i32>} : memref<800x32xf32, #tpu.memory_space<vmem>>, vector<1x16xf32>,
        %swap3A_568 = vector.shape_cast %swap3A_567 : vector<1x16xf32> to vector<16xf32>
        %swap3A_569 = vector.shape_cast %get3A_558 : vector<16xf32> to vector<1x16xf32>
        tpu.vector_store %arg8[%swap3A_565, %swap3A_566], %swap3A_569 {add = true, strides = array<i32>} : memref<800x32xf32, #tpu.memory_space<vmem>>, vector<1x16xf32>,
        %swap3A_570 = arith.index_cast %add3A_564 : i32 to index
        %swap3A_571 = arith.constant 16 : index
        %swap3A_572 = tpu.vector_load %arg8[%swap3A_570, %swap3A_571] {strides = array<i32>} : memref<800x32xf32, #tpu.memory_space<vmem>>, vector<1x16xf32>,
        %swap3A_573 = vector.shape_cast %swap3A_572 : vector<1x16xf32> to vector<16xf32>
        %swap3A_574 = vector.shape_cast %get3A_562 : vector<16xf32> to vector<1x16xf32>
        tpu.vector_store %arg8[%swap3A_570, %swap3A_571], %swap3A_574 {add = true, strides = array<i32>} : memref<800x32xf32, #tpu.memory_space<vmem>>, vector<1x16xf32>,
        %add3A_575 = arith.constant 200 : i32
        %add3A_576 = arith.addi %add3A_575, %add3A_554 : i32
        %swap3A_577 = arith.index_cast %add3A_576 : i32 to index
        %swap3A_578 = arith.constant 0 : index
        %swap3A_579 = tpu.vector_load %arg8[%swap3A_577, %swap3A_578] {strides = array<i32>} : memref<800x32xf32, #tpu.memory_space<vmem>>, vector<1x16xf32>,
        %swap3A_580 = vector.shape_cast %swap3A_579 : vector<1x16xf32> to vector<16xf32>
        %swap3A_581 = vector.shape_cast %get3A_558 : vector<16xf32> to vector<1x16xf32>
        tpu.vector_store %arg8[%swap3A_577, %swap3A_578], %swap3A_581 {add = true, strides = array<i32>} : memref<800x32xf32, #tpu.memory_space<vmem>>, vector<1x16xf32>,
        %swap3A_582 = arith.index_cast %add3A_576 : i32 to index
        %swap3A_583 = arith.constant 16 : index
        %swap3A_584 = tpu.vector_load %arg8[%swap3A_582, %swap3A_583] {strides = array<i32>} : memref<800x32xf32, #tpu.memory_space<vmem>>, vector<1x16xf32>,
        %swap3A_585 = vector.shape_cast %swap3A_584 : vector<1x16xf32> to vector<16xf32>
        %swap3A_586 = vector.shape_cast %get3A_562 : vector<16xf32> to vector<1x16xf32>
        tpu.vector_store %arg8[%swap3A_582, %swap3A_583], %swap3A_586 {add = true, strides = array<i32>} : memref<800x32xf32, #tpu.memory_space<vmem>>, vector<1x16xf32>,
        %add3A_587 = arith.constant 400 : i32
        %add3A_588 = arith.addi %add3A_587, %add3A_554 : i32
        %swap3A_589 = arith.index_cast %add3A_588 : i32 to index
        %swap3A_590 = arith.constant 0 : index
        %swap3A_591 = tpu.vector_load %arg8[%swap3A_589, %swap3A_590] {strides = array<i32>} : memref<800x32xf32, #tpu.memory_space<vmem>>, vector<1x16xf32>,
        %swap3A_592 = vector.shape_cast %swap3A_591 : vector<1x16xf32> to vector<16xf32>
        %swap3A_593 = vector.shape_cast %get3A_558 : vector<16xf32> to vector<1x16xf32>
        tpu.vector_store %arg8[%swap3A_589, %swap3A_590], %swap3A_593 {add = true, strides = array<i32>} : memref<800x32xf32, #tpu.memory_space<vmem>>, vector<1x16xf32>,
        %swap3A_594 = arith.index_cast %add3A_588 : i32 to index
        %swap3A_595 = arith.constant 16 : index
        %swap3A_596 = tpu.vector_load %arg8[%swap3A_594, %swap3A_595] {strides = array<i32>} : memref<800x32xf32, #tpu.memory_space<vmem>>, vector<1x16xf32>,
        %swap3A_597 = vector.shape_cast %swap3A_596 : vector<1x16xf32> to vector<16xf32>
        %swap3A_598 = vector.shape_cast %get3A_562 : vector<16xf32> to vector<1x16xf32>
        tpu.vector_store %arg8[%swap3A_594, %swap3A_595], %swap3A_598 {add = true, strides = array<i32>} : memref<800x32xf32, #tpu.memory_space<vmem>>, vector<1x16xf32>,
        %add3A_599 = arith.constant 600 : i32
        %add3A_600 = arith.addi %add3A_599, %add3A_554 : i32
        %swap3A_601 = arith.index_cast %add3A_600 : i32 to index
        %swap3A_602 = arith.constant 0 : index
        %swap3A_603 = tpu.vector_load %arg8[%swap3A_601, %swap3A_602] {strides = array<i32>} : memref<800x32xf32, #tpu.memory_space<vmem>>, vector<1x16xf32>,
        %swap3A_604 = vector.shape_cast %swap3A_603 : vector<1x16xf32> to vector<16xf32>
        %swap3A_605 = vector.shape_cast %get3A_558 : vector<16xf32> to vector<1x16xf32>
        tpu.vector_store %arg8[%swap3A_601, %swap3A_602], %swap3A_605 {add = true, strides = array<i32>} : memref<800x32xf32, #tpu.memory_space<vmem>>, vector<1x16xf32>,
        %swap3A_606 = arith.index_cast %add3A_600 : i32 to index
        %swap3A_607 = arith.constant 16 : index
        %swap3A_608 = tpu.vector_load %arg8[%swap3A_606, %swap3A_607] {strides = array<i32>} : memref<800x32xf32, #tpu.memory_space<vmem>>, vector<1x16xf32>,
        %swap3A_609 = vector.shape_cast %swap3A_608 : vector<1x16xf32> to vector<16xf32>
        %swap3A_610 = vector.shape_cast %get3A_562 : vector<16xf32> to vector<1x16xf32>
        tpu.vector_store %arg8[%swap3A_606, %swap3A_607], %swap3A_610 {add = true, strides = array<i32>} : memref<800x32xf32, #tpu.memory_space<vmem>>, vector<1x16xf32>,
        %mul3A_611 = arith.constant 8 : i32
        %mul3A_612 = arith.muli %scan3A_192, %mul3A_611 : i32
        %add3A_613 = arith.constant 7 : i32
        %add3A_614 = arith.addi %mul3A_612, %add3A_613 : i32
        %get3A_615 = arith.index_cast %add3A_614 : i32 to index
        %get3A_616 = arith.constant 0 : index
        %get3A_617 = tpu.vector_load %arg10[%get3A_615, %get3A_616] {strides = array<i32>} : memref<200x32xf32, #tpu.memory_space<vmem>>, vector<1x16xf32>,
        %get3A_618 = vector.shape_cast %get3A_617 : vector<1x16xf32> to vector<16xf32>
        %get3A_619 = arith.index_cast %add3A_614 : i32 to index
        %get3A_620 = arith.constant 16 : index
        %get3A_621 = tpu.vector_load %arg10[%get3A_619, %get3A_620] {strides = array<i32>} : memref<200x32xf32, #tpu.memory_space<vmem>>, vector<1x16xf32>,
        %get3A_622 = vector.shape_cast %get3A_621 : vector<1x16xf32> to vector<16xf32>
        %add3A_623 = arith.constant 0 : i32
        %add3A_624 = arith.addi %add3A_623, %add3A_614 : i32
        %swap3A_625 = arith.index_cast %add3A_624 : i32 to index
        %swap3A_626 = arith.constant 0 : index
        %swap3A_627 = tpu.vector_load %arg8[%swap3A_625, %swap3A_626] {strides = array<i32>} : memref<800x32xf32, #tpu.memory_space<vmem>>, vector<1x16xf32>,
        %swap3A_628 = vector.shape_cast %swap3A_627 : vector<1x16xf32> to vector<16xf32>
        %swap3A_629 = vector.shape_cast %get3A_618 : vector<16xf32> to vector<1x16xf32>
        tpu.vector_store %arg8[%swap3A_625, %swap3A_626], %swap3A_629 {add = true, strides = array<i32>} : memref<800x32xf32, #tpu.memory_space<vmem>>, vector<1x16xf32>,
        %swap3A_630 = arith.index_cast %add3A_624 : i32 to index
        %swap3A_631 = arith.constant 16 : index
        %swap3A_632 = tpu.vector_load %arg8[%swap3A_630, %swap3A_631] {strides = array<i32>} : memref<800x32xf32, #tpu.memory_space<vmem>>, vector<1x16xf32>,
        %swap3A_633 = vector.shape_cast %swap3A_632 : vector<1x16xf32> to vector<16xf32>
        %swap3A_634 = vector.shape_cast %get3A_622 : vector<16xf32> to vector<1x16xf32>
        tpu.vector_store %arg8[%swap3A_630, %swap3A_631], %swap3A_634 {add = true, strides = array<i32>} : memref<800x32xf32, #tpu.memory_space<vmem>>, vector<1x16xf32>,
        %add3A_635 = arith.constant 200 : i32
        %add3A_636 = arith.addi %add3A_635, %add3A_614 : i32
        %swap3A_637 = arith.index_cast %add3A_636 : i32 to index
        %swap3A_638 = arith.constant 0 : index
        %swap3A_639 = tpu.vector_load %arg8[%swap3A_637, %swap3A_638] {strides = array<i32>} : memref<800x32xf32, #tpu.memory_space<vmem>>, vector<1x16xf32>,
        %swap3A_640 = vector.shape_cast %swap3A_639 : vector<1x16xf32> to vector<16xf32>
        %swap3A_641 = vector.shape_cast %get3A_618 : vector<16xf32> to vector<1x16xf32>
        tpu.vector_store %arg8[%swap3A_637, %swap3A_638], %swap3A_641 {add = true, strides = array<i32>} : memref<800x32xf32, #tpu.memory_space<vmem>>, vector<1x16xf32>,
        %swap3A_642 = arith.index_cast %add3A_636 : i32 to index
        %swap3A_643 = arith.constant 16 : index
        %swap3A_644 = tpu.vector_load %arg8[%swap3A_642, %swap3A_643] {strides = array<i32>} : memref<800x32xf32, #tpu.memory_space<vmem>>, vector<1x16xf32>,
        %swap3A_645 = vector.shape_cast %swap3A_644 : vector<1x16xf32> to vector<16xf32>
        %swap3A_646 = vector.shape_cast %get3A_622 : vector<16xf32> to vector<1x16xf32>
        tpu.vector_store %arg8[%swap3A_642, %swap3A_643], %swap3A_646 {add = true, strides = array<i32>} : memref<800x32xf32, #tpu.memory_space<vmem>>, vector<1x16xf32>,
        %add3A_647 = arith.constant 400 : i32
        %add3A_648 = arith.addi %add3A_647, %add3A_614 : i32
        %swap3A_649 = arith.index_cast %add3A_648 : i32 to index
        %swap3A_650 = arith.constant 0 : index
        %swap3A_651 = tpu.vector_load %arg8[%swap3A_649, %swap3A_650] {strides = array<i32>} : memref<800x32xf32, #tpu.memory_space<vmem>>, vector<1x16xf32>,
        %swap3A_652 = vector.shape_cast %swap3A_651 : vector<1x16xf32> to vector<16xf32>
        %swap3A_653 = vector.shape_cast %get3A_618 : vector<16xf32> to vector<1x16xf32>
        tpu.vector_store %arg8[%swap3A_649, %swap3A_650], %swap3A_653 {add = true, strides = array<i32>} : memref<800x32xf32, #tpu.memory_space<vmem>>, vector<1x16xf32>,
        %swap3A_654 = arith.index_cast %add3A_648 : i32 to index
        %swap3A_655 = arith.constant 16 : index
        %swap3A_656 = tpu.vector_load %arg8[%swap3A_654, %swap3A_655] {strides = array<i32>} : memref<800x32xf32, #tpu.memory_space<vmem>>, vector<1x16xf32>,
        %swap3A_657 = vector.shape_cast %swap3A_656 : vector<1x16xf32> to vector<16xf32>
        %swap3A_658 = vector.shape_cast %get3A_622 : vector<16xf32> to vector<1x16xf32>
        tpu.vector_store %arg8[%swap3A_654, %swap3A_655], %swap3A_658 {add = true, strides = array<i32>} : memref<800x32xf32, #tpu.memory_space<vmem>>, vector<1x16xf32>,
        %add3A_659 = arith.constant 600 : i32
        %add3A_660 = arith.addi %add3A_659, %add3A_614 : i32
        %swap3A_661 = arith.index_cast %add3A_660 : i32 to index
        %swap3A_662 = arith.constant 0 : index
        %swap3A_663 = tpu.vector_load %arg8[%swap3A_661, %swap3A_662] {strides = array<i32>} : memref<800x32xf32, #tpu.memory_space<vmem>>, vector<1x16xf32>,
        %swap3A_664 = vector.shape_cast %swap3A_663 : vector<1x16xf32> to vector<16xf32>
        %swap3A_665 = vector.shape_cast %get3A_618 : vector<16xf32> to vector<1x16xf32>
        tpu.vector_store %arg8[%swap3A_661, %swap3A_662], %swap3A_665 {add = true, strides = array<i32>} : memref<800x32xf32, #tpu.memory_space<vmem>>, vector<1x16xf32>,
        %swap3A_666 = arith.index_cast %add3A_660 : i32 to index
        %swap3A_667 = arith.constant 16 : index
        %swap3A_668 = tpu.vector_load %arg8[%swap3A_666, %swap3A_667] {strides = array<i32>} : memref<800x32xf32, #tpu.memory_space<vmem>>, vector<1x16xf32>,
        %swap3A_669 = vector.shape_cast %swap3A_668 : vector<1x16xf32> to vector<16xf32>
        %swap3A_670 = vector.shape_cast %get3A_622 : vector<16xf32> to vector<1x16xf32>
        tpu.vector_store %arg8[%swap3A_666, %swap3A_667], %swap3A_670 {add = true, strides = array<i32>} : memref<800x32xf32, #tpu.memory_space<vmem>>, vector<1x16xf32>,
      }
      %scan3A_140 = arith.constant 25 : i32
      %dma_start3A_141 = arith.constant 0 : i32
      %dma_start3A_142 = tpu.memref_slice %arg5[%add3A_109, %dma_start3A_141] : memref<819200x32xf32, #tpu.memory_space<hbm>> -> memref<800x32xf32, #tpu.memory_space<hbm>>
      %dma_start3A_143 = arith.constant 0 : i32
      %dma_start3A_144 = tpu.memref_slice %arg5[%add3A_109, %dma_start3A_143] : memref<819200x32xf32, #tpu.memory_space<hbm>> -> memref<800x32xf32, #tpu.memory_space<hbm>>
      tpu.enqueue_dma source(%arg8 : memref<800x32xf32, #tpu.memory_space<vmem>>) target(%dma_start3A_144 : memref<800x32xf32, #tpu.memory_space<hbm>>) target_semaphore(%arg15 : memref<!tpu.dma_semaphore, #tpu.memory_space<semaphore_mem>>)
      %mul3A_145 = arith.constant 2 : i32
      %mul3A_146 = arith.muli %mul3A_145, %scan3A_102 : i32
      %add3A_147 = arith.constant 1 : i32
      %add3A_148 = arith.addi %mul3A_146, %add3A_147 : i32
      %mul3A_149 = arith.constant 800 : i32
      %mul3A_150 = arith.muli %add3A_148, %mul3A_149 : i32
      %add3A_151 = arith.addi %mul3A_2, %mul3A_150 : i32
      %ge3A_152 = arith.constant 1 : i32
      %ge3A_153 = arith.cmpi sge, %add3A_148, %ge3A_152 : i32
      %add3A_154 = arith.constant 1 : i32
      %add3A_155 = arith.addi %add3A_148, %add3A_154 : i32
      %lt3A_156 = arith.constant 32 : i32
      %lt3A_157 = arith.cmpi slt, %add3A_155, %lt3A_156 : i32
      %and3A_158 = arith.andi %ge3A_153, %lt3A_157 : i1
      %convert_element_type3A_159 = arith.extui %and3A_158 : i1 to i32
      %cond3A_160 = arith.constant 0 : i32
      %cond3A_161 = arith.cmpi ne, %convert_element_type3A_159, %cond3A_160 : i32
      scf.if %cond3A_161 {
        %dma_wait3A_192 = arith.constant 0 : i32
        %dma_wait3A_193 = arith.constant 0 : i32
        %dma_wait3A_194 = tpu.memref_slice %arg5[%dma_wait3A_192, %dma_wait3A_193] : memref<819200x32xf32, #tpu.memory_space<hbm>> -> memref<800x32xf32, #tpu.memory_space<hbm>>
        %dma_wait3A_195 = arith.constant 0 : i32
        %dma_wait3A_196 = arith.constant 0 : i32
        %dma_wait3A_197 = tpu.memref_slice %arg5[%dma_wait3A_195, %dma_wait3A_196] : memref<819200x32xf32, #tpu.memory_space<hbm>> -> memref<800x32xf32, #tpu.memory_space<hbm>>
        tpu.wait_dma2 semaphore(%arg15 : memref<!tpu.dma_semaphore, #tpu.memory_space<semaphore_mem>>) src(%arg8 : memref<800x32xf32, #tpu.memory_space<vmem>>) dst(%dma_wait3A_197 : memref<800x32xf32, #tpu.memory_space<hbm>>)
      } else {
      }
      %add3A_162 = arith.constant 1 : i32
      %add3A_163 = arith.addi %add3A_148, %add3A_162 : i32
      %lt3A_164 = arith.constant 32 : i32
      %lt3A_165 = arith.cmpi slt, %add3A_163, %lt3A_164 : i32
      %convert_element_type3A_166 = arith.extui %lt3A_165 : i1 to i32
      %cond3A_167 = arith.constant 0 : i32
      %cond3A_168 = arith.cmpi ne, %convert_element_type3A_166, %cond3A_167 : i32
      scf.if %cond3A_168 {
        %dma_wait3A_192 = arith.constant 0 : i32
        %dma_wait3A_193 = tpu.memref_slice %arg2[%dma_wait3A_192] : memref<819200xi32, #tpu.memory_space<hbm>> -> memref<800xi32, #tpu.memory_space<hbm>>
        %dma_wait3A_194 = arith.constant 0 : i32
        %dma_wait3A_195 = tpu.memref_slice %arg2[%dma_wait3A_194] : memref<819200xi32, #tpu.memory_space<hbm>> -> memref<800xi32, #tpu.memory_space<hbm>>
        tpu.wait_dma2 semaphore(%arg13 : memref<!tpu.dma_semaphore, #tpu.memory_space<semaphore_mem>>) src(%dma_wait3A_195 : memref<800xi32, #tpu.memory_space<hbm>>) dst(%arg6 : memref<800xi32, #tpu.memory_space<vmem>>)
        %dma_start3A_196 = arith.constant 0 : i32
        %dma_start3A_197 = arith.constant 0 : i32
        %dma_start3A_198 = tpu.memref_slice %arg8[%dma_start3A_196, %dma_start3A_197] : memref<800x32xf32, #tpu.memory_space<vmem>> -> memref<80x32xf32, #tpu.memory_space<vmem>>
        %dma_start3A_199 = arith.constant 0 : i32
        %dma_start3A_200 = tpu.memref_slice %arg6[%dma_start3A_199] : memref<800xi32, #tpu.memory_space<vmem>> -> memref<80xi32, #tpu.memory_space<vmem>>
        %dma_start3A_201 = arith.constant 0 : i32
        %dma_start3A_202 = arith.constant 0 : i32
        %dma_start3A_203 = tpu.memref_slice %arg3[%dma_start3A_201, %dma_start3A_202] : memref<1000000x32xf32, #tpu.memory_space<hbm>> -> memref<1000000x32xf32, #tpu.memory_space<hbm>>
        tpu.enqueue_indirect_dma source(%dma_start3A_203 : memref<1000000x32xf32, #tpu.memory_space<hbm>>) target(%dma_start3A_198 : memref<80x32xf32, #tpu.memory_space<vmem>>) offsets(%dma_start3A_200 : memref<80xi32, #tpu.memory_space<vmem>>) semaphore(%arg11 : memref<!tpu.dma_semaphore, #tpu.memory_space<semaphore_mem>>)
        %dma_start3A_204 = arith.constant 80 : i32
        %dma_start3A_205 = arith.constant 0 : i32
        %dma_start3A_206 = tpu.memref_slice %arg8[%dma_start3A_204, %dma_start3A_205] : memref<800x32xf32, #tpu.memory_space<vmem>> -> memref<80x32xf32, #tpu.memory_space<vmem>>
        %dma_start3A_207 = arith.constant 80 : i32
        %dma_start3A_208 = tpu.memref_slice %arg6[%dma_start3A_207] : memref<800xi32, #tpu.memory_space<vmem>> -> memref<80xi32, #tpu.memory_space<vmem>>
        %dma_start3A_209 = arith.constant 0 : i32
        %dma_start3A_210 = arith.constant 0 : i32
        %dma_start3A_211 = tpu.memref_slice %arg3[%dma_start3A_209, %dma_start3A_210] : memref<1000000x32xf32, #tpu.memory_space<hbm>> -> memref<1000000x32xf32, #tpu.memory_space<hbm>>
        tpu.enqueue_indirect_dma source(%dma_start3A_211 : memref<1000000x32xf32, #tpu.memory_space<hbm>>) target(%dma_start3A_206 : memref<80x32xf32, #tpu.memory_space<vmem>>) offsets(%dma_start3A_208 : memref<80xi32, #tpu.memory_space<vmem>>) semaphore(%arg11 : memref<!tpu.dma_semaphore, #tpu.memory_space<semaphore_mem>>)
        %dma_start3A_212 = arith.constant 160 : i32
        %dma_start3A_213 = arith.constant 0 : i32
        %dma_start3A_214 = tpu.memref_slice %arg8[%dma_start3A_212, %dma_start3A_213] : memref<800x32xf32, #tpu.memory_space<vmem>> -> memref<80x32xf32, #tpu.memory_space<vmem>>
        %dma_start3A_215 = arith.constant 160 : i32
        %dma_start3A_216 = tpu.memref_slice %arg6[%dma_start3A_215] : memref<800xi32, #tpu.memory_space<vmem>> -> memref<80xi32, #tpu.memory_space<vmem>>
        %dma_start3A_217 = arith.constant 0 : i32
        %dma_start3A_218 = arith.constant 0 : i32
        %dma_start3A_219 = tpu.memref_slice %arg3[%dma_start3A_217, %dma_start3A_218] : memref<1000000x32xf32, #tpu.memory_space<hbm>> -> memref<1000000x32xf32, #tpu.memory_space<hbm>>
        tpu.enqueue_indirect_dma source(%dma_start3A_219 : memref<1000000x32xf32, #tpu.memory_space<hbm>>) target(%dma_start3A_214 : memref<80x32xf32, #tpu.memory_space<vmem>>) offsets(%dma_start3A_216 : memref<80xi32, #tpu.memory_space<vmem>>) semaphore(%arg11 : memref<!tpu.dma_semaphore, #tpu.memory_space<semaphore_mem>>)
        %dma_start3A_220 = arith.constant 240 : i32
        %dma_start3A_221 = arith.constant 0 : i32
        %dma_start3A_222 = tpu.memref_slice %arg8[%dma_start3A_220, %dma_start3A_221] : memref<800x32xf32, #tpu.memory_space<vmem>> -> memref<80x32xf32, #tpu.memory_space<vmem>>
        %dma_start3A_223 = arith.constant 240 : i32
        %dma_start3A_224 = tpu.memref_slice %arg6[%dma_start3A_223] : memref<800xi32, #tpu.memory_space<vmem>> -> memref<80xi32, #tpu.memory_space<vmem>>
        %dma_start3A_225 = arith.constant 0 : i32
        %dma_start3A_226 = arith.constant 0 : i32
        %dma_start3A_227 = tpu.memref_slice %arg3[%dma_start3A_225, %dma_start3A_226] : memref<1000000x32xf32, #tpu.memory_space<hbm>> -> memref<1000000x32xf32, #tpu.memory_space<hbm>>
        tpu.enqueue_indirect_dma source(%dma_start3A_227 : memref<1000000x32xf32, #tpu.memory_space<hbm>>) target(%dma_start3A_222 : memref<80x32xf32, #tpu.memory_space<vmem>>) offsets(%dma_start3A_224 : memref<80xi32, #tpu.memory_space<vmem>>) semaphore(%arg11 : memref<!tpu.dma_semaphore, #tpu.memory_space<semaphore_mem>>)
        %dma_start3A_228 = arith.constant 320 : i32
        %dma_start3A_229 = arith.constant 0 : i32
        %dma_start3A_230 = tpu.memref_slice %arg8[%dma_start3A_228, %dma_start3A_229] : memref<800x32xf32, #tpu.memory_space<vmem>> -> memref<80x32xf32, #tpu.memory_space<vmem>>
        %dma_start3A_231 = arith.constant 320 : i32
        %dma_start3A_232 = tpu.memref_slice %arg6[%dma_start3A_231] : memref<800xi32, #tpu.memory_space<vmem>> -> memref<80xi32, #tpu.memory_space<vmem>>
        %dma_start3A_233 = arith.constant 0 : i32
        %dma_start3A_234 = arith.constant 0 : i32
        %dma_start3A_235 = tpu.memref_slice %arg3[%dma_start3A_233, %dma_start3A_234] : memref<1000000x32xf32, #tpu.memory_space<hbm>> -> memref<1000000x32xf32, #tpu.memory_space<hbm>>
        tpu.enqueue_indirect_dma source(%dma_start3A_235 : memref<1000000x32xf32, #tpu.memory_space<hbm>>) target(%dma_start3A_230 : memref<80x32xf32, #tpu.memory_space<vmem>>) offsets(%dma_start3A_232 : memref<80xi32, #tpu.memory_space<vmem>>) semaphore(%arg11 : memref<!tpu.dma_semaphore, #tpu.memory_space<semaphore_mem>>)
        %dma_start3A_236 = arith.constant 400 : i32
        %dma_start3A_237 = arith.constant 0 : i32
        %dma_start3A_238 = tpu.memref_slice %arg8[%dma_start3A_236, %dma_start3A_237] : memref<800x32xf32, #tpu.memory_space<vmem>> -> memref<80x32xf32, #tpu.memory_space<vmem>>
        %dma_start3A_239 = arith.constant 400 : i32
        %dma_start3A_240 = tpu.memref_slice %arg6[%dma_start3A_239] : memref<800xi32, #tpu.memory_space<vmem>> -> memref<80xi32, #tpu.memory_space<vmem>>
        %dma_start3A_241 = arith.constant 0 : i32
        %dma_start3A_242 = arith.constant 0 : i32
        %dma_start3A_243 = tpu.memref_slice %arg3[%dma_start3A_241, %dma_start3A_242] : memref<1000000x32xf32, #tpu.memory_space<hbm>> -> memref<1000000x32xf32, #tpu.memory_space<hbm>>
        tpu.enqueue_indirect_dma source(%dma_start3A_243 : memref<1000000x32xf32, #tpu.memory_space<hbm>>) target(%dma_start3A_238 : memref<80x32xf32, #tpu.memory_space<vmem>>) offsets(%dma_start3A_240 : memref<80xi32, #tpu.memory_space<vmem>>) semaphore(%arg11 : memref<!tpu.dma_semaphore, #tpu.memory_space<semaphore_mem>>)
        %dma_start3A_244 = arith.constant 480 : i32
        %dma_start3A_245 = arith.constant 0 : i32
        %dma_start3A_246 = tpu.memref_slice %arg8[%dma_start3A_244, %dma_start3A_245] : memref<800x32xf32, #tpu.memory_space<vmem>> -> memref<80x32xf32, #tpu.memory_space<vmem>>
        %dma_start3A_247 = arith.constant 480 : i32
        %dma_start3A_248 = tpu.memref_slice %arg6[%dma_start3A_247] : memref<800xi32, #tpu.memory_space<vmem>> -> memref<80xi32, #tpu.memory_space<vmem>>
        %dma_start3A_249 = arith.constant 0 : i32
        %dma_start3A_250 = arith.constant 0 : i32
        %dma_start3A_251 = tpu.memref_slice %arg3[%dma_start3A_249, %dma_start3A_250] : memref<1000000x32xf32, #tpu.memory_space<hbm>> -> memref<1000000x32xf32, #tpu.memory_space<hbm>>
        tpu.enqueue_indirect_dma source(%dma_start3A_251 : memref<1000000x32xf32, #tpu.memory_space<hbm>>) target(%dma_start3A_246 : memref<80x32xf32, #tpu.memory_space<vmem>>) offsets(%dma_start3A_248 : memref<80xi32, #tpu.memory_space<vmem>>) semaphore(%arg11 : memref<!tpu.dma_semaphore, #tpu.memory_space<semaphore_mem>>)
        %dma_start3A_252 = arith.constant 560 : i32
        %dma_start3A_253 = arith.constant 0 : i32
        %dma_start3A_254 = tpu.memref_slice %arg8[%dma_start3A_252, %dma_start3A_253] : memref<800x32xf32, #tpu.memory_space<vmem>> -> memref<80x32xf32, #tpu.memory_space<vmem>>
        %dma_start3A_255 = arith.constant 560 : i32
        %dma_start3A_256 = tpu.memref_slice %arg6[%dma_start3A_255] : memref<800xi32, #tpu.memory_space<vmem>> -> memref<80xi32, #tpu.memory_space<vmem>>
        %dma_start3A_257 = arith.constant 0 : i32
        %dma_start3A_258 = arith.constant 0 : i32
        %dma_start3A_259 = tpu.memref_slice %arg3[%dma_start3A_257, %dma_start3A_258] : memref<1000000x32xf32, #tpu.memory_space<hbm>> -> memref<1000000x32xf32, #tpu.memory_space<hbm>>
        tpu.enqueue_indirect_dma source(%dma_start3A_259 : memref<1000000x32xf32, #tpu.memory_space<hbm>>) target(%dma_start3A_254 : memref<80x32xf32, #tpu.memory_space<vmem>>) offsets(%dma_start3A_256 : memref<80xi32, #tpu.memory_space<vmem>>) semaphore(%arg11 : memref<!tpu.dma_semaphore, #tpu.memory_space<semaphore_mem>>)
        %dma_start3A_260 = arith.constant 640 : i32
        %dma_start3A_261 = arith.constant 0 : i32
        %dma_start3A_262 = tpu.memref_slice %arg8[%dma_start3A_260, %dma_start3A_261] : memref<800x32xf32, #tpu.memory_space<vmem>> -> memref<80x32xf32, #tpu.memory_space<vmem>>
        %dma_start3A_263 = arith.constant 640 : i32
        %dma_start3A_264 = tpu.memref_slice %arg6[%dma_start3A_263] : memref<800xi32, #tpu.memory_space<vmem>> -> memref<80xi32, #tpu.memory_space<vmem>>
        %dma_start3A_265 = arith.constant 0 : i32
        %dma_start3A_266 = arith.constant 0 : i32
        %dma_start3A_267 = tpu.memref_slice %arg3[%dma_start3A_265, %dma_start3A_266] : memref<1000000x32xf32, #tpu.memory_space<hbm>> -> memref<1000000x32xf32, #tpu.memory_space<hbm>>
        tpu.enqueue_indirect_dma source(%dma_start3A_267 : memref<1000000x32xf32, #tpu.memory_space<hbm>>) target(%dma_start3A_262 : memref<80x32xf32, #tpu.memory_space<vmem>>) offsets(%dma_start3A_264 : memref<80xi32, #tpu.memory_space<vmem>>) semaphore(%arg11 : memref<!tpu.dma_semaphore, #tpu.memory_space<semaphore_mem>>)
        %dma_start3A_268 = arith.constant 720 : i32
        %dma_start3A_269 = arith.constant 0 : i32
        %dma_start3A_270 = tpu.memref_slice %arg8[%dma_start3A_268, %dma_start3A_269] : memref<800x32xf32, #tpu.memory_space<vmem>> -> memref<80x32xf32, #tpu.memory_space<vmem>>
        %dma_start3A_271 = arith.constant 720 : i32
        %dma_start3A_272 = tpu.memref_slice %arg6[%dma_start3A_271] : memref<800xi32, #tpu.memory_space<vmem>> -> memref<80xi32, #tpu.memory_space<vmem>>
        %dma_start3A_273 = arith.constant 0 : i32
        %dma_start3A_274 = arith.constant 0 : i32
        %dma_start3A_275 = tpu.memref_slice %arg3[%dma_start3A_273, %dma_start3A_274] : memref<1000000x32xf32, #tpu.memory_space<hbm>> -> memref<1000000x32xf32, #tpu.memory_space<hbm>>
        tpu.enqueue_indirect_dma source(%dma_start3A_275 : memref<1000000x32xf32, #tpu.memory_space<hbm>>) target(%dma_start3A_270 : memref<80x32xf32, #tpu.memory_space<vmem>>) offsets(%dma_start3A_272 : memref<80xi32, #tpu.memory_space<vmem>>) semaphore(%arg11 : memref<!tpu.dma_semaphore, #tpu.memory_space<semaphore_mem>>)
      } else {
      }
      %dma_wait3A_169 = arith.constant 0 : i32
      %dma_wait3A_170 = arith.constant 0 : i32
      %dma_wait3A_171 = tpu.memref_slice %arg5[%dma_wait3A_169, %dma_wait3A_170] : memref<819200x32xf32, #tpu.memory_space<hbm>> -> memref<800x32xf32, #tpu.memory_space<hbm>>
      %dma_wait3A_172 = arith.constant 0 : i32
      %dma_wait3A_173 = arith.constant 0 : i32
      %dma_wait3A_174 = tpu.memref_slice %arg5[%dma_wait3A_172, %dma_wait3A_173] : memref<819200x32xf32, #tpu.memory_space<hbm>> -> memref<800x32xf32, #tpu.memory_space<hbm>>
      tpu.wait_dma2 semaphore(%arg12 : memref<!tpu.dma_semaphore, #tpu.memory_space<semaphore_mem>>) src(%dma_wait3A_174 : memref<800x32xf32, #tpu.memory_space<hbm>>) dst(%arg9 : memref<800x32xf32, #tpu.memory_space<vmem>>)
      %add3A_175 = arith.constant 2 : i32
      %add3A_176 = arith.addi %add3A_148, %add3A_175 : i32
      %lt3A_177 = arith.constant 32 : i32
      %lt3A_178 = arith.cmpi slt, %add3A_176, %lt3A_177 : i32
      %convert_element_type3A_179 = arith.extui %lt3A_178 : i1 to i32
      %cond3A_180 = arith.constant 0 : i32
      %cond3A_181 = arith.cmpi ne, %convert_element_type3A_179, %cond3A_180 : i32
      scf.if %cond3A_181 {
        %add3A_192 = arith.constant 1600 : i32
        %add3A_193 = arith.addi %add3A_151, %add3A_192 : i32
        %dma_start3A_194 = tpu.memref_slice %arg2[%add3A_193] : memref<819200xi32, #tpu.memory_space<hbm>> -> memref<800xi32, #tpu.memory_space<hbm>>
        %dma_start3A_195 = tpu.memref_slice %arg2[%add3A_193] : memref<819200xi32, #tpu.memory_space<hbm>> -> memref<800xi32, #tpu.memory_space<hbm>>
        tpu.enqueue_dma source(%dma_start3A_195 : memref<800xi32, #tpu.memory_space<hbm>>) target(%arg7 : memref<800xi32, #tpu.memory_space<vmem>>) target_semaphore(%arg14 : memref<!tpu.dma_semaphore, #tpu.memory_space<semaphore_mem>>)
      } else {
      }
      %scan3A_182 = arith.constant 0 : i32
      %scan3A_183 = arith.constant 0 : i32
      %scan3A_184 = arith.constant 25 : i32
      %scan3A_185 = arith.addi %scan3A_183, %scan3A_184 : i32
      %scan3A_186 = arith.constant 1 : i32
      scf.for %scan3A_192 = %scan3A_183 to %scan3A_185 step %scan3A_186  : i32 {
        %mul3A_193 = arith.constant 8 : i32
        %mul3A_194 = arith.muli %scan3A_192, %mul3A_193 : i32
        %add3A_195 = arith.constant 0 : i32
        %add3A_196 = arith.addi %mul3A_194, %add3A_195 : i32
        %get3A = arith.index_cast %add3A_196 : i32 to index
        %get3A_197 = arith.constant 0 : index
        %get3A_198 = tpu.vector_load %arg10[%get3A, %get3A_197] {strides = array<i32>} : memref<200x32xf32, #tpu.memory_space<vmem>>, vector<1x16xf32>,
        %get3A_199 = vector.shape_cast %get3A_198 : vector<1x16xf32> to vector<16xf32>
        %get3A_200 = arith.index_cast %add3A_196 : i32 to index
        %get3A_201 = arith.constant 16 : index
        %get3A_202 = tpu.vector_load %arg10[%get3A_200, %get3A_201] {strides = array<i32>} : memref<200x32xf32, #tpu.memory_space<vmem>>, vector<1x16xf32>,
        %get3A_203 = vector.shape_cast %get3A_202 : vector<1x16xf32> to vector<16xf32>
        %add3A_204 = arith.constant 0 : i32
        %add3A_205 = arith.addi %add3A_204, %add3A_196 : i32
        %swap3A = arith.index_cast %add3A_205 : i32 to index
        %swap3A_206 = arith.constant 0 : index
        %swap3A_207 = tpu.vector_load %arg9[%swap3A, %swap3A_206] {strides = array<i32>} : memref<800x32xf32, #tpu.memory_space<vmem>>, vector<1x16xf32>,
        %swap3A_208 = vector.shape_cast %swap3A_207 : vector<1x16xf32> to vector<16xf32>
        %swap3A_209 = vector.shape_cast %get3A_199 : vector<16xf32> to vector<1x16xf32>
        tpu.vector_store %arg9[%swap3A, %swap3A_206], %swap3A_209 {add = true, strides = array<i32>} : memref<800x32xf32, #tpu.memory_space<vmem>>, vector<1x16xf32>,
        %swap3A_210 = arith.index_cast %add3A_205 : i32 to index
        %swap3A_211 = arith.constant 16 : index
        %swap3A_212 = tpu.vector_load %arg9[%swap3A_210, %swap3A_211] {strides = array<i32>} : memref<800x32xf32, #tpu.memory_space<vmem>>, vector<1x16xf32>,
        %swap3A_213 = vector.shape_cast %swap3A_212 : vector<1x16xf32> to vector<16xf32>
        %swap3A_214 = vector.shape_cast %get3A_203 : vector<16xf32> to vector<1x16xf32>
        tpu.vector_store %arg9[%swap3A_210, %swap3A_211], %swap3A_214 {add = true, strides = array<i32>} : memref<800x32xf32, #tpu.memory_space<vmem>>, vector<1x16xf32>,
        %add3A_215 = arith.constant 200 : i32
        %add3A_216 = arith.addi %add3A_215, %add3A_196 : i32
        %swap3A_217 = arith.index_cast %add3A_216 : i32 to index
        %swap3A_218 = arith.constant 0 : index
        %swap3A_219 = tpu.vector_load %arg9[%swap3A_217, %swap3A_218] {strides = array<i32>} : memref<800x32xf32, #tpu.memory_space<vmem>>, vector<1x16xf32>,
        %swap3A_220 = vector.shape_cast %swap3A_219 : vector<1x16xf32> to vector<16xf32>
        %swap3A_221 = vector.shape_cast %get3A_199 : vector<16xf32> to vector<1x16xf32>
        tpu.vector_store %arg9[%swap3A_217, %swap3A_218], %swap3A_221 {add = true, strides = array<i32>} : memref<800x32xf32, #tpu.memory_space<vmem>>, vector<1x16xf32>,
        %swap3A_222 = arith.index_cast %add3A_216 : i32 to index
        %swap3A_223 = arith.constant 16 : index
        %swap3A_224 = tpu.vector_load %arg9[%swap3A_222, %swap3A_223] {strides = array<i32>} : memref<800x32xf32, #tpu.memory_space<vmem>>, vector<1x16xf32>,
        %swap3A_225 = vector.shape_cast %swap3A_224 : vector<1x16xf32> to vector<16xf32>
        %swap3A_226 = vector.shape_cast %get3A_203 : vector<16xf32> to vector<1x16xf32>
        tpu.vector_store %arg9[%swap3A_222, %swap3A_223], %swap3A_226 {add = true, strides = array<i32>} : memref<800x32xf32, #tpu.memory_space<vmem>>, vector<1x16xf32>,
        %add3A_227 = arith.constant 400 : i32
        %add3A_228 = arith.addi %add3A_227, %add3A_196 : i32
        %swap3A_229 = arith.index_cast %add3A_228 : i32 to index
        %swap3A_230 = arith.constant 0 : index
        %swap3A_231 = tpu.vector_load %arg9[%swap3A_229, %swap3A_230] {strides = array<i32>} : memref<800x32xf32, #tpu.memory_space<vmem>>, vector<1x16xf32>,
        %swap3A_232 = vector.shape_cast %swap3A_231 : vector<1x16xf32> to vector<16xf32>
        %swap3A_233 = vector.shape_cast %get3A_199 : vector<16xf32> to vector<1x16xf32>
        tpu.vector_store %arg9[%swap3A_229, %swap3A_230], %swap3A_233 {add = true, strides = array<i32>} : memref<800x32xf32, #tpu.memory_space<vmem>>, vector<1x16xf32>,
        %swap3A_234 = arith.index_cast %add3A_228 : i32 to index
        %swap3A_235 = arith.constant 16 : index
        %swap3A_236 = tpu.vector_load %arg9[%swap3A_234, %swap3A_235] {strides = array<i32>} : memref<800x32xf32, #tpu.memory_space<vmem>>, vector<1x16xf32>,
        %swap3A_237 = vector.shape_cast %swap3A_236 : vector<1x16xf32> to vector<16xf32>
        %swap3A_238 = vector.shape_cast %get3A_203 : vector<16xf32> to vector<1x16xf32>
        tpu.vector_store %arg9[%swap3A_234, %swap3A_235], %swap3A_238 {add = true, strides = array<i32>} : memref<800x32xf32, #tpu.memory_space<vmem>>, vector<1x16xf32>,
        %add3A_239 = arith.constant 600 : i32
        %add3A_240 = arith.addi %add3A_239, %add3A_196 : i32
        %swap3A_241 = arith.index_cast %add3A_240 : i32 to index
        %swap3A_242 = arith.constant 0 : index
        %swap3A_243 = tpu.vector_load %arg9[%swap3A_241, %swap3A_242] {strides = array<i32>} : memref<800x32xf32, #tpu.memory_space<vmem>>, vector<1x16xf32>,
        %swap3A_244 = vector.shape_cast %swap3A_243 : vector<1x16xf32> to vector<16xf32>
        %swap3A_245 = vector.shape_cast %get3A_199 : vector<16xf32> to vector<1x16xf32>
        tpu.vector_store %arg9[%swap3A_241, %swap3A_242], %swap3A_245 {add = true, strides = array<i32>} : memref<800x32xf32, #tpu.memory_space<vmem>>, vector<1x16xf32>,
        %swap3A_246 = arith.index_cast %add3A_240 : i32 to index
        %swap3A_247 = arith.constant 16 : index
        %swap3A_248 = tpu.vector_load %arg9[%swap3A_246, %swap3A_247] {strides = array<i32>} : memref<800x32xf32, #tpu.memory_space<vmem>>, vector<1x16xf32>,
        %swap3A_249 = vector.shape_cast %swap3A_248 : vector<1x16xf32> to vector<16xf32>
        %swap3A_250 = vector.shape_cast %get3A_203 : vector<16xf32> to vector<1x16xf32>
        tpu.vector_store %arg9[%swap3A_246, %swap3A_247], %swap3A_250 {add = true, strides = array<i32>} : memref<800x32xf32, #tpu.memory_space<vmem>>, vector<1x16xf32>,
        %mul3A_251 = arith.constant 8 : i32
        %mul3A_252 = arith.muli %scan3A_192, %mul3A_251 : i32
        %add3A_253 = arith.constant 1 : i32
        %add3A_254 = arith.addi %mul3A_252, %add3A_253 : i32
        %get3A_255 = arith.index_cast %add3A_254 : i32 to index
        %get3A_256 = arith.constant 0 : index
        %get3A_257 = tpu.vector_load %arg10[%get3A_255, %get3A_256] {strides = array<i32>} : memref<200x32xf32, #tpu.memory_space<vmem>>, vector<1x16xf32>,
        %get3A_258 = vector.shape_cast %get3A_257 : vector<1x16xf32> to vector<16xf32>
        %get3A_259 = arith.index_cast %add3A_254 : i32 to index
        %get3A_260 = arith.constant 16 : index
        %get3A_261 = tpu.vector_load %arg10[%get3A_259, %get3A_260] {strides = array<i32>} : memref<200x32xf32, #tpu.memory_space<vmem>>, vector<1x16xf32>,
        %get3A_262 = vector.shape_cast %get3A_261 : vector<1x16xf32> to vector<16xf32>
        %add3A_263 = arith.constant 0 : i32
        %add3A_264 = arith.addi %add3A_263, %add3A_254 : i32
        %swap3A_265 = arith.index_cast %add3A_264 : i32 to index
        %swap3A_266 = arith.constant 0 : index
        %swap3A_267 = tpu.vector_load %arg9[%swap3A_265, %swap3A_266] {strides = array<i32>} : memref<800x32xf32, #tpu.memory_space<vmem>>, vector<1x16xf32>,
        %swap3A_268 = vector.shape_cast %swap3A_267 : vector<1x16xf32> to vector<16xf32>
        %swap3A_269 = vector.shape_cast %get3A_258 : vector<16xf32> to vector<1x16xf32>
        tpu.vector_store %arg9[%swap3A_265, %swap3A_266], %swap3A_269 {add = true, strides = array<i32>} : memref<800x32xf32, #tpu.memory_space<vmem>>, vector<1x16xf32>,
        %swap3A_270 = arith.index_cast %add3A_264 : i32 to index
        %swap3A_271 = arith.constant 16 : index
        %swap3A_272 = tpu.vector_load %arg9[%swap3A_270, %swap3A_271] {strides = array<i32>} : memref<800x32xf32, #tpu.memory_space<vmem>>, vector<1x16xf32>,
        %swap3A_273 = vector.shape_cast %swap3A_272 : vector<1x16xf32> to vector<16xf32>
        %swap3A_274 = vector.shape_cast %get3A_262 : vector<16xf32> to vector<1x16xf32>
        tpu.vector_store %arg9[%swap3A_270, %swap3A_271], %swap3A_274 {add = true, strides = array<i32>} : memref<800x32xf32, #tpu.memory_space<vmem>>, vector<1x16xf32>,
        %add3A_275 = arith.constant 200 : i32
        %add3A_276 = arith.addi %add3A_275, %add3A_254 : i32
        %swap3A_277 = arith.index_cast %add3A_276 : i32 to index
        %swap3A_278 = arith.constant 0 : index
        %swap3A_279 = tpu.vector_load %arg9[%swap3A_277, %swap3A_278] {strides = array<i32>} : memref<800x32xf32, #tpu.memory_space<vmem>>, vector<1x16xf32>,
        %swap3A_280 = vector.shape_cast %swap3A_279 : vector<1x16xf32> to vector<16xf32>
        %swap3A_281 = vector.shape_cast %get3A_258 : vector<16xf32> to vector<1x16xf32>
        tpu.vector_store %arg9[%swap3A_277, %swap3A_278], %swap3A_281 {add = true, strides = array<i32>} : memref<800x32xf32, #tpu.memory_space<vmem>>, vector<1x16xf32>,
        %swap3A_282 = arith.index_cast %add3A_276 : i32 to index
        %swap3A_283 = arith.constant 16 : index
        %swap3A_284 = tpu.vector_load %arg9[%swap3A_282, %swap3A_283] {strides = array<i32>} : memref<800x32xf32, #tpu.memory_space<vmem>>, vector<1x16xf32>,
        %swap3A_285 = vector.shape_cast %swap3A_284 : vector<1x16xf32> to vector<16xf32>
        %swap3A_286 = vector.shape_cast %get3A_262 : vector<16xf32> to vector<1x16xf32>
        tpu.vector_store %arg9[%swap3A_282, %swap3A_283], %swap3A_286 {add = true, strides = array<i32>} : memref<800x32xf32, #tpu.memory_space<vmem>>, vector<1x16xf32>,
        %add3A_287 = arith.constant 400 : i32
        %add3A_288 = arith.addi %add3A_287, %add3A_254 : i32
        %swap3A_289 = arith.index_cast %add3A_288 : i32 to index
        %swap3A_290 = arith.constant 0 : index
        %swap3A_291 = tpu.vector_load %arg9[%swap3A_289, %swap3A_290] {strides = array<i32>} : memref<800x32xf32, #tpu.memory_space<vmem>>, vector<1x16xf32>,
        %swap3A_292 = vector.shape_cast %swap3A_291 : vector<1x16xf32> to vector<16xf32>
        %swap3A_293 = vector.shape_cast %get3A_258 : vector<16xf32> to vector<1x16xf32>
        tpu.vector_store %arg9[%swap3A_289, %swap3A_290], %swap3A_293 {add = true, strides = array<i32>} : memref<800x32xf32, #tpu.memory_space<vmem>>, vector<1x16xf32>,
        %swap3A_294 = arith.index_cast %add3A_288 : i32 to index
        %swap3A_295 = arith.constant 16 : index
        %swap3A_296 = tpu.vector_load %arg9[%swap3A_294, %swap3A_295] {strides = array<i32>} : memref<800x32xf32, #tpu.memory_space<vmem>>, vector<1x16xf32>,
        %swap3A_297 = vector.shape_cast %swap3A_296 : vector<1x16xf32> to vector<16xf32>
        %swap3A_298 = vector.shape_cast %get3A_262 : vector<16xf32> to vector<1x16xf32>
        tpu.vector_store %arg9[%swap3A_294, %swap3A_295], %swap3A_298 {add = true, strides = array<i32>} : memref<800x32xf32, #tpu.memory_space<vmem>>, vector<1x16xf32>,
        %add3A_299 = arith.constant 600 : i32
        %add3A_300 = arith.addi %add3A_299, %add3A_254 : i32
        %swap3A_301 = arith.index_cast %add3A_300 : i32 to index
        %swap3A_302 = arith.constant 0 : index
        %swap3A_303 = tpu.vector_load %arg9[%swap3A_301, %swap3A_302] {strides = array<i32>} : memref<800x32xf32, #tpu.memory_space<vmem>>, vector<1x16xf32>,
        %swap3A_304 = vector.shape_cast %swap3A_303 : vector<1x16xf32> to vector<16xf32>
        %swap3A_305 = vector.shape_cast %get3A_258 : vector<16xf32> to vector<1x16xf32>
        tpu.vector_store %arg9[%swap3A_301, %swap3A_302], %swap3A_305 {add = true, strides = array<i32>} : memref<800x32xf32, #tpu.memory_space<vmem>>, vector<1x16xf32>,
        %swap3A_306 = arith.index_cast %add3A_300 : i32 to index
        %swap3A_307 = arith.constant 16 : index
        %swap3A_308 = tpu.vector_load %arg9[%swap3A_306, %swap3A_307] {strides = array<i32>} : memref<800x32xf32, #tpu.memory_space<vmem>>, vector<1x16xf32>,
        %swap3A_309 = vector.shape_cast %swap3A_308 : vector<1x16xf32> to vector<16xf32>
        %swap3A_310 = vector.shape_cast %get3A_262 : vector<16xf32> to vector<1x16xf32>
        tpu.vector_store %arg9[%swap3A_306, %swap3A_307], %swap3A_310 {add = true, strides = array<i32>} : memref<800x32xf32, #tpu.memory_space<vmem>>, vector<1x16xf32>,
        %mul3A_311 = arith.constant 8 : i32
        %mul3A_312 = arith.muli %scan3A_192, %mul3A_311 : i32
        %add3A_313 = arith.constant 2 : i32
        %add3A_314 = arith.addi %mul3A_312, %add3A_313 : i32
        %get3A_315 = arith.index_cast %add3A_314 : i32 to index
        %get3A_316 = arith.constant 0 : index
        %get3A_317 = tpu.vector_load %arg10[%get3A_315, %get3A_316] {strides = array<i32>} : memref<200x32xf32, #tpu.memory_space<vmem>>, vector<1x16xf32>,
        %get3A_318 = vector.shape_cast %get3A_317 : vector<1x16xf32> to vector<16xf32>
        %get3A_319 = arith.index_cast %add3A_314 : i32 to index
        %get3A_320 = arith.constant 16 : index
        %get3A_321 = tpu.vector_load %arg10[%get3A_319, %get3A_320] {strides = array<i32>} : memref<200x32xf32, #tpu.memory_space<vmem>>, vector<1x16xf32>,
        %get3A_322 = vector.shape_cast %get3A_321 : vector<1x16xf32> to vector<16xf32>
        %add3A_323 = arith.constant 0 : i32
        %add3A_324 = arith.addi %add3A_323, %add3A_314 : i32
        %swap3A_325 = arith.index_cast %add3A_324 : i32 to index
        %swap3A_326 = arith.constant 0 : index
        %swap3A_327 = tpu.vector_load %arg9[%swap3A_325, %swap3A_326] {strides = array<i32>} : memref<800x32xf32, #tpu.memory_space<vmem>>, vector<1x16xf32>,
        %swap3A_328 = vector.shape_cast %swap3A_327 : vector<1x16xf32> to vector<16xf32>
        %swap3A_329 = vector.shape_cast %get3A_318 : vector<16xf32> to vector<1x16xf32>
        tpu.vector_store %arg9[%swap3A_325, %swap3A_326], %swap3A_329 {add = true, strides = array<i32>} : memref<800x32xf32, #tpu.memory_space<vmem>>, vector<1x16xf32>,
        %swap3A_330 = arith.index_cast %add3A_324 : i32 to index
        %swap3A_331 = arith.constant 16 : index
        %swap3A_332 = tpu.vector_load %arg9[%swap3A_330, %swap3A_331] {strides = array<i32>} : memref<800x32xf32, #tpu.memory_space<vmem>>, vector<1x16xf32>,
        %swap3A_333 = vector.shape_cast %swap3A_332 : vector<1x16xf32> to vector<16xf32>
        %swap3A_334 = vector.shape_cast %get3A_322 : vector<16xf32> to vector<1x16xf32>
        tpu.vector_store %arg9[%swap3A_330, %swap3A_331], %swap3A_334 {add = true, strides = array<i32>} : memref<800x32xf32, #tpu.memory_space<vmem>>, vector<1x16xf32>,
        %add3A_335 = arith.constant 200 : i32
        %add3A_336 = arith.addi %add3A_335, %add3A_314 : i32
        %swap3A_337 = arith.index_cast %add3A_336 : i32 to index
        %swap3A_338 = arith.constant 0 : index
        %swap3A_339 = tpu.vector_load %arg9[%swap3A_337, %swap3A_338] {strides = array<i32>} : memref<800x32xf32, #tpu.memory_space<vmem>>, vector<1x16xf32>,
        %swap3A_340 = vector.shape_cast %swap3A_339 : vector<1x16xf32> to vector<16xf32>
        %swap3A_341 = vector.shape_cast %get3A_318 : vector<16xf32> to vector<1x16xf32>
        tpu.vector_store %arg9[%swap3A_337, %swap3A_338], %swap3A_341 {add = true, strides = array<i32>} : memref<800x32xf32, #tpu.memory_space<vmem>>, vector<1x16xf32>,
        %swap3A_342 = arith.index_cast %add3A_336 : i32 to index
        %swap3A_343 = arith.constant 16 : index
        %swap3A_344 = tpu.vector_load %arg9[%swap3A_342, %swap3A_343] {strides = array<i32>} : memref<800x32xf32, #tpu.memory_space<vmem>>, vector<1x16xf32>,
        %swap3A_345 = vector.shape_cast %swap3A_344 : vector<1x16xf32> to vector<16xf32>
        %swap3A_346 = vector.shape_cast %get3A_322 : vector<16xf32> to vector<1x16xf32>
        tpu.vector_store %arg9[%swap3A_342, %swap3A_343], %swap3A_346 {add = true, strides = array<i32>} : memref<800x32xf32, #tpu.memory_space<vmem>>, vector<1x16xf32>,
        %add3A_347 = arith.constant 400 : i32
        %add3A_348 = arith.addi %add3A_347, %add3A_314 : i32
        %swap3A_349 = arith.index_cast %add3A_348 : i32 to index
        %swap3A_350 = arith.constant 0 : index
        %swap3A_351 = tpu.vector_load %arg9[%swap3A_349, %swap3A_350] {strides = array<i32>} : memref<800x32xf32, #tpu.memory_space<vmem>>, vector<1x16xf32>,
        %swap3A_352 = vector.shape_cast %swap3A_351 : vector<1x16xf32> to vector<16xf32>
        %swap3A_353 = vector.shape_cast %get3A_318 : vector<16xf32> to vector<1x16xf32>
        tpu.vector_store %arg9[%swap3A_349, %swap3A_350], %swap3A_353 {add = true, strides = array<i32>} : memref<800x32xf32, #tpu.memory_space<vmem>>, vector<1x16xf32>,
        %swap3A_354 = arith.index_cast %add3A_348 : i32 to index
        %swap3A_355 = arith.constant 16 : index
        %swap3A_356 = tpu.vector_load %arg9[%swap3A_354, %swap3A_355] {strides = array<i32>} : memref<800x32xf32, #tpu.memory_space<vmem>>, vector<1x16xf32>,
        %swap3A_357 = vector.shape_cast %swap3A_356 : vector<1x16xf32> to vector<16xf32>
        %swap3A_358 = vector.shape_cast %get3A_322 : vector<16xf32> to vector<1x16xf32>
        tpu.vector_store %arg9[%swap3A_354, %swap3A_355], %swap3A_358 {add = true, strides = array<i32>} : memref<800x32xf32, #tpu.memory_space<vmem>>, vector<1x16xf32>,
        %add3A_359 = arith.constant 600 : i32
        %add3A_360 = arith.addi %add3A_359, %add3A_314 : i32
        %swap3A_361 = arith.index_cast %add3A_360 : i32 to index
        %swap3A_362 = arith.constant 0 : index
        %swap3A_363 = tpu.vector_load %arg9[%swap3A_361, %swap3A_362] {strides = array<i32>} : memref<800x32xf32, #tpu.memory_space<vmem>>, vector<1x16xf32>,
        %swap3A_364 = vector.shape_cast %swap3A_363 : vector<1x16xf32> to vector<16xf32>
        %swap3A_365 = vector.shape_cast %get3A_318 : vector<16xf32> to vector<1x16xf32>
        tpu.vector_store %arg9[%swap3A_361, %swap3A_362], %swap3A_365 {add = true, strides = array<i32>} : memref<800x32xf32, #tpu.memory_space<vmem>>, vector<1x16xf32>,
        %swap3A_366 = arith.index_cast %add3A_360 : i32 to index
        %swap3A_367 = arith.constant 16 : index
        %swap3A_368 = tpu.vector_load %arg9[%swap3A_366, %swap3A_367] {strides = array<i32>} : memref<800x32xf32, #tpu.memory_space<vmem>>, vector<1x16xf32>,
        %swap3A_369 = vector.shape_cast %swap3A_368 : vector<1x16xf32> to vector<16xf32>
        %swap3A_370 = vector.shape_cast %get3A_322 : vector<16xf32> to vector<1x16xf32>
        tpu.vector_store %arg9[%swap3A_366, %swap3A_367], %swap3A_370 {add = true, strides = array<i32>} : memref<800x32xf32, #tpu.memory_space<vmem>>, vector<1x16xf32>,
        %mul3A_371 = arith.constant 8 : i32
        %mul3A_372 = arith.muli %scan3A_192, %mul3A_371 : i32
        %add3A_373 = arith.constant 3 : i32
        %add3A_374 = arith.addi %mul3A_372, %add3A_373 : i32
        %get3A_375 = arith.index_cast %add3A_374 : i32 to index
        %get3A_376 = arith.constant 0 : index
        %get3A_377 = tpu.vector_load %arg10[%get3A_375, %get3A_376] {strides = array<i32>} : memref<200x32xf32, #tpu.memory_space<vmem>>, vector<1x16xf32>,
        %get3A_378 = vector.shape_cast %get3A_377 : vector<1x16xf32> to vector<16xf32>
        %get3A_379 = arith.index_cast %add3A_374 : i32 to index
        %get3A_380 = arith.constant 16 : index
        %get3A_381 = tpu.vector_load %arg10[%get3A_379, %get3A_380] {strides = array<i32>} : memref<200x32xf32, #tpu.memory_space<vmem>>, vector<1x16xf32>,
        %get3A_382 = vector.shape_cast %get3A_381 : vector<1x16xf32> to vector<16xf32>
        %add3A_383 = arith.constant 0 : i32
        %add3A_384 = arith.addi %add3A_383, %add3A_374 : i32
        %swap3A_385 = arith.index_cast %add3A_384 : i32 to index
        %swap3A_386 = arith.constant 0 : index
        %swap3A_387 = tpu.vector_load %arg9[%swap3A_385, %swap3A_386] {strides = array<i32>} : memref<800x32xf32, #tpu.memory_space<vmem>>, vector<1x16xf32>,
        %swap3A_388 = vector.shape_cast %swap3A_387 : vector<1x16xf32> to vector<16xf32>
        %swap3A_389 = vector.shape_cast %get3A_378 : vector<16xf32> to vector<1x16xf32>
        tpu.vector_store %arg9[%swap3A_385, %swap3A_386], %swap3A_389 {add = true, strides = array<i32>} : memref<800x32xf32, #tpu.memory_space<vmem>>, vector<1x16xf32>,
        %swap3A_390 = arith.index_cast %add3A_384 : i32 to index
        %swap3A_391 = arith.constant 16 : index
        %swap3A_392 = tpu.vector_load %arg9[%swap3A_390, %swap3A_391] {strides = array<i32>} : memref<800x32xf32, #tpu.memory_space<vmem>>, vector<1x16xf32>,
        %swap3A_393 = vector.shape_cast %swap3A_392 : vector<1x16xf32> to vector<16xf32>
        %swap3A_394 = vector.shape_cast %get3A_382 : vector<16xf32> to vector<1x16xf32>
        tpu.vector_store %arg9[%swap3A_390, %swap3A_391], %swap3A_394 {add = true, strides = array<i32>} : memref<800x32xf32, #tpu.memory_space<vmem>>, vector<1x16xf32>,
        %add3A_395 = arith.constant 200 : i32
        %add3A_396 = arith.addi %add3A_395, %add3A_374 : i32
        %swap3A_397 = arith.index_cast %add3A_396 : i32 to index
        %swap3A_398 = arith.constant 0 : index
        %swap3A_399 = tpu.vector_load %arg9[%swap3A_397, %swap3A_398] {strides = array<i32>} : memref<800x32xf32, #tpu.memory_space<vmem>>, vector<1x16xf32>,
        %swap3A_400 = vector.shape_cast %swap3A_399 : vector<1x16xf32> to vector<16xf32>
        %swap3A_401 = vector.shape_cast %get3A_378 : vector<16xf32> to vector<1x16xf32>
        tpu.vector_store %arg9[%swap3A_397, %swap3A_398], %swap3A_401 {add = true, strides = array<i32>} : memref<800x32xf32, #tpu.memory_space<vmem>>, vector<1x16xf32>,
        %swap3A_402 = arith.index_cast %add3A_396 : i32 to index
        %swap3A_403 = arith.constant 16 : index
        %swap3A_404 = tpu.vector_load %arg9[%swap3A_402, %swap3A_403] {strides = array<i32>} : memref<800x32xf32, #tpu.memory_space<vmem>>, vector<1x16xf32>,
        %swap3A_405 = vector.shape_cast %swap3A_404 : vector<1x16xf32> to vector<16xf32>
        %swap3A_406 = vector.shape_cast %get3A_382 : vector<16xf32> to vector<1x16xf32>
        tpu.vector_store %arg9[%swap3A_402, %swap3A_403], %swap3A_406 {add = true, strides = array<i32>} : memref<800x32xf32, #tpu.memory_space<vmem>>, vector<1x16xf32>,
        %add3A_407 = arith.constant 400 : i32
        %add3A_408 = arith.addi %add3A_407, %add3A_374 : i32
        %swap3A_409 = arith.index_cast %add3A_408 : i32 to index
        %swap3A_410 = arith.constant 0 : index
        %swap3A_411 = tpu.vector_load %arg9[%swap3A_409, %swap3A_410] {strides = array<i32>} : memref<800x32xf32, #tpu.memory_space<vmem>>, vector<1x16xf32>,
        %swap3A_412 = vector.shape_cast %swap3A_411 : vector<1x16xf32> to vector<16xf32>
        %swap3A_413 = vector.shape_cast %get3A_378 : vector<16xf32> to vector<1x16xf32>
        tpu.vector_store %arg9[%swap3A_409, %swap3A_410], %swap3A_413 {add = true, strides = array<i32>} : memref<800x32xf32, #tpu.memory_space<vmem>>, vector<1x16xf32>,
        %swap3A_414 = arith.index_cast %add3A_408 : i32 to index
        %swap3A_415 = arith.constant 16 : index
        %swap3A_416 = tpu.vector_load %arg9[%swap3A_414, %swap3A_415] {strides = array<i32>} : memref<800x32xf32, #tpu.memory_space<vmem>>, vector<1x16xf32>,
        %swap3A_417 = vector.shape_cast %swap3A_416 : vector<1x16xf32> to vector<16xf32>
        %swap3A_418 = vector.shape_cast %get3A_382 : vector<16xf32> to vector<1x16xf32>
        tpu.vector_store %arg9[%swap3A_414, %swap3A_415], %swap3A_418 {add = true, strides = array<i32>} : memref<800x32xf32, #tpu.memory_space<vmem>>, vector<1x16xf32>,
        %add3A_419 = arith.constant 600 : i32
        %add3A_420 = arith.addi %add3A_419, %add3A_374 : i32
        %swap3A_421 = arith.index_cast %add3A_420 : i32 to index
        %swap3A_422 = arith.constant 0 : index
        %swap3A_423 = tpu.vector_load %arg9[%swap3A_421, %swap3A_422] {strides = array<i32>} : memref<800x32xf32, #tpu.memory_space<vmem>>, vector<1x16xf32>,
        %swap3A_424 = vector.shape_cast %swap3A_423 : vector<1x16xf32> to vector<16xf32>
        %swap3A_425 = vector.shape_cast %get3A_378 : vector<16xf32> to vector<1x16xf32>
        tpu.vector_store %arg9[%swap3A_421, %swap3A_422], %swap3A_425 {add = true, strides = array<i32>} : memref<800x32xf32, #tpu.memory_space<vmem>>, vector<1x16xf32>,
        %swap3A_426 = arith.index_cast %add3A_420 : i32 to index
        %swap3A_427 = arith.constant 16 : index
        %swap3A_428 = tpu.vector_load %arg9[%swap3A_426, %swap3A_427] {strides = array<i32>} : memref<800x32xf32, #tpu.memory_space<vmem>>, vector<1x16xf32>,
        %swap3A_429 = vector.shape_cast %swap3A_428 : vector<1x16xf32> to vector<16xf32>
        %swap3A_430 = vector.shape_cast %get3A_382 : vector<16xf32> to vector<1x16xf32>
        tpu.vector_store %arg9[%swap3A_426, %swap3A_427], %swap3A_430 {add = true, strides = array<i32>} : memref<800x32xf32, #tpu.memory_space<vmem>>, vector<1x16xf32>,
        %mul3A_431 = arith.constant 8 : i32
        %mul3A_432 = arith.muli %scan3A_192, %mul3A_431 : i32
        %add3A_433 = arith.constant 4 : i32
        %add3A_434 = arith.addi %mul3A_432, %add3A_433 : i32
        %get3A_435 = arith.index_cast %add3A_434 : i32 to index
        %get3A_436 = arith.constant 0 : index
        %get3A_437 = tpu.vector_load %arg10[%get3A_435, %get3A_436] {strides = array<i32>} : memref<200x32xf32, #tpu.memory_space<vmem>>, vector<1x16xf32>,
        %get3A_438 = vector.shape_cast %get3A_437 : vector<1x16xf32> to vector<16xf32>
        %get3A_439 = arith.index_cast %add3A_434 : i32 to index
        %get3A_440 = arith.constant 16 : index
        %get3A_441 = tpu.vector_load %arg10[%get3A_439, %get3A_440] {strides = array<i32>} : memref<200x32xf32, #tpu.memory_space<vmem>>, vector<1x16xf32>,
        %get3A_442 = vector.shape_cast %get3A_441 : vector<1x16xf32> to vector<16xf32>
        %add3A_443 = arith.constant 0 : i32
        %add3A_444 = arith.addi %add3A_443, %add3A_434 : i32
        %swap3A_445 = arith.index_cast %add3A_444 : i32 to index
        %swap3A_446 = arith.constant 0 : index
        %swap3A_447 = tpu.vector_load %arg9[%swap3A_445, %swap3A_446] {strides = array<i32>} : memref<800x32xf32, #tpu.memory_space<vmem>>, vector<1x16xf32>,
        %swap3A_448 = vector.shape_cast %swap3A_447 : vector<1x16xf32> to vector<16xf32>
        %swap3A_449 = vector.shape_cast %get3A_438 : vector<16xf32> to vector<1x16xf32>
        tpu.vector_store %arg9[%swap3A_445, %swap3A_446], %swap3A_449 {add = true, strides = array<i32>} : memref<800x32xf32, #tpu.memory_space<vmem>>, vector<1x16xf32>,
        %swap3A_450 = arith.index_cast %add3A_444 : i32 to index
        %swap3A_451 = arith.constant 16 : index
        %swap3A_452 = tpu.vector_load %arg9[%swap3A_450, %swap3A_451] {strides = array<i32>} : memref<800x32xf32, #tpu.memory_space<vmem>>, vector<1x16xf32>,
        %swap3A_453 = vector.shape_cast %swap3A_452 : vector<1x16xf32> to vector<16xf32>
        %swap3A_454 = vector.shape_cast %get3A_442 : vector<16xf32> to vector<1x16xf32>
        tpu.vector_store %arg9[%swap3A_450, %swap3A_451], %swap3A_454 {add = true, strides = array<i32>} : memref<800x32xf32, #tpu.memory_space<vmem>>, vector<1x16xf32>,
        %add3A_455 = arith.constant 200 : i32
        %add3A_456 = arith.addi %add3A_455, %add3A_434 : i32
        %swap3A_457 = arith.index_cast %add3A_456 : i32 to index
        %swap3A_458 = arith.constant 0 : index
        %swap3A_459 = tpu.vector_load %arg9[%swap3A_457, %swap3A_458] {strides = array<i32>} : memref<800x32xf32, #tpu.memory_space<vmem>>, vector<1x16xf32>,
        %swap3A_460 = vector.shape_cast %swap3A_459 : vector<1x16xf32> to vector<16xf32>
        %swap3A_461 = vector.shape_cast %get3A_438 : vector<16xf32> to vector<1x16xf32>
        tpu.vector_store %arg9[%swap3A_457, %swap3A_458], %swap3A_461 {add = true, strides = array<i32>} : memref<800x32xf32, #tpu.memory_space<vmem>>, vector<1x16xf32>,
        %swap3A_462 = arith.index_cast %add3A_456 : i32 to index
        %swap3A_463 = arith.constant 16 : index
        %swap3A_464 = tpu.vector_load %arg9[%swap3A_462, %swap3A_463] {strides = array<i32>} : memref<800x32xf32, #tpu.memory_space<vmem>>, vector<1x16xf32>,
        %swap3A_465 = vector.shape_cast %swap3A_464 : vector<1x16xf32> to vector<16xf32>
        %swap3A_466 = vector.shape_cast %get3A_442 : vector<16xf32> to vector<1x16xf32>
        tpu.vector_store %arg9[%swap3A_462, %swap3A_463], %swap3A_466 {add = true, strides = array<i32>} : memref<800x32xf32, #tpu.memory_space<vmem>>, vector<1x16xf32>,
        %add3A_467 = arith.constant 400 : i32
        %add3A_468 = arith.addi %add3A_467, %add3A_434 : i32
        %swap3A_469 = arith.index_cast %add3A_468 : i32 to index
        %swap3A_470 = arith.constant 0 : index
        %swap3A_471 = tpu.vector_load %arg9[%swap3A_469, %swap3A_470] {strides = array<i32>} : memref<800x32xf32, #tpu.memory_space<vmem>>, vector<1x16xf32>,
        %swap3A_472 = vector.shape_cast %swap3A_471 : vector<1x16xf32> to vector<16xf32>
        %swap3A_473 = vector.shape_cast %get3A_438 : vector<16xf32> to vector<1x16xf32>
        tpu.vector_store %arg9[%swap3A_469, %swap3A_470], %swap3A_473 {add = true, strides = array<i32>} : memref<800x32xf32, #tpu.memory_space<vmem>>, vector<1x16xf32>,
        %swap3A_474 = arith.index_cast %add3A_468 : i32 to index
        %swap3A_475 = arith.constant 16 : index
        %swap3A_476 = tpu.vector_load %arg9[%swap3A_474, %swap3A_475] {strides = array<i32>} : memref<800x32xf32, #tpu.memory_space<vmem>>, vector<1x16xf32>,
        %swap3A_477 = vector.shape_cast %swap3A_476 : vector<1x16xf32> to vector<16xf32>
        %swap3A_478 = vector.shape_cast %get3A_442 : vector<16xf32> to vector<1x16xf32>
        tpu.vector_store %arg9[%swap3A_474, %swap3A_475], %swap3A_478 {add = true, strides = array<i32>} : memref<800x32xf32, #tpu.memory_space<vmem>>, vector<1x16xf32>,
        %add3A_479 = arith.constant 600 : i32
        %add3A_480 = arith.addi %add3A_479, %add3A_434 : i32
        %swap3A_481 = arith.index_cast %add3A_480 : i32 to index
        %swap3A_482 = arith.constant 0 : index
        %swap3A_483 = tpu.vector_load %arg9[%swap3A_481, %swap3A_482] {strides = array<i32>} : memref<800x32xf32, #tpu.memory_space<vmem>>, vector<1x16xf32>,
        %swap3A_484 = vector.shape_cast %swap3A_483 : vector<1x16xf32> to vector<16xf32>
        %swap3A_485 = vector.shape_cast %get3A_438 : vector<16xf32> to vector<1x16xf32>
        tpu.vector_store %arg9[%swap3A_481, %swap3A_482], %swap3A_485 {add = true, strides = array<i32>} : memref<800x32xf32, #tpu.memory_space<vmem>>, vector<1x16xf32>,
        %swap3A_486 = arith.index_cast %add3A_480 : i32 to index
        %swap3A_487 = arith.constant 16 : index
        %swap3A_488 = tpu.vector_load %arg9[%swap3A_486, %swap3A_487] {strides = array<i32>} : memref<800x32xf32, #tpu.memory_space<vmem>>, vector<1x16xf32>,
        %swap3A_489 = vector.shape_cast %swap3A_488 : vector<1x16xf32> to vector<16xf32>
        %swap3A_490 = vector.shape_cast %get3A_442 : vector<16xf32> to vector<1x16xf32>
        tpu.vector_store %arg9[%swap3A_486, %swap3A_487], %swap3A_490 {add = true, strides = array<i32>} : memref<800x32xf32, #tpu.memory_space<vmem>>, vector<1x16xf32>,
        %mul3A_491 = arith.constant 8 : i32
        %mul3A_492 = arith.muli %scan3A_192, %mul3A_491 : i32
        %add3A_493 = arith.constant 5 : i32
        %add3A_494 = arith.addi %mul3A_492, %add3A_493 : i32
        %get3A_495 = arith.index_cast %add3A_494 : i32 to index
        %get3A_496 = arith.constant 0 : index
        %get3A_497 = tpu.vector_load %arg10[%get3A_495, %get3A_496] {strides = array<i32>} : memref<200x32xf32, #tpu.memory_space<vmem>>, vector<1x16xf32>,
        %get3A_498 = vector.shape_cast %get3A_497 : vector<1x16xf32> to vector<16xf32>
        %get3A_499 = arith.index_cast %add3A_494 : i32 to index
        %get3A_500 = arith.constant 16 : index
        %get3A_501 = tpu.vector_load %arg10[%get3A_499, %get3A_500] {strides = array<i32>} : memref<200x32xf32, #tpu.memory_space<vmem>>, vector<1x16xf32>,
        %get3A_502 = vector.shape_cast %get3A_501 : vector<1x16xf32> to vector<16xf32>
        %add3A_503 = arith.constant 0 : i32
        %add3A_504 = arith.addi %add3A_503, %add3A_494 : i32
        %swap3A_505 = arith.index_cast %add3A_504 : i32 to index
        %swap3A_506 = arith.constant 0 : index
        %swap3A_507 = tpu.vector_load %arg9[%swap3A_505, %swap3A_506] {strides = array<i32>} : memref<800x32xf32, #tpu.memory_space<vmem>>, vector<1x16xf32>,
        %swap3A_508 = vector.shape_cast %swap3A_507 : vector<1x16xf32> to vector<16xf32>
        %swap3A_509 = vector.shape_cast %get3A_498 : vector<16xf32> to vector<1x16xf32>
        tpu.vector_store %arg9[%swap3A_505, %swap3A_506], %swap3A_509 {add = true, strides = array<i32>} : memref<800x32xf32, #tpu.memory_space<vmem>>, vector<1x16xf32>,
        %swap3A_510 = arith.index_cast %add3A_504 : i32 to index
        %swap3A_511 = arith.constant 16 : index
        %swap3A_512 = tpu.vector_load %arg9[%swap3A_510, %swap3A_511] {strides = array<i32>} : memref<800x32xf32, #tpu.memory_space<vmem>>, vector<1x16xf32>,
        %swap3A_513 = vector.shape_cast %swap3A_512 : vector<1x16xf32> to vector<16xf32>
        %swap3A_514 = vector.shape_cast %get3A_502 : vector<16xf32> to vector<1x16xf32>
        tpu.vector_store %arg9[%swap3A_510, %swap3A_511], %swap3A_514 {add = true, strides = array<i32>} : memref<800x32xf32, #tpu.memory_space<vmem>>, vector<1x16xf32>,
        %add3A_515 = arith.constant 200 : i32
        %add3A_516 = arith.addi %add3A_515, %add3A_494 : i32
        %swap3A_517 = arith.index_cast %add3A_516 : i32 to index
        %swap3A_518 = arith.constant 0 : index
        %swap3A_519 = tpu.vector_load %arg9[%swap3A_517, %swap3A_518] {strides = array<i32>} : memref<800x32xf32, #tpu.memory_space<vmem>>, vector<1x16xf32>,
        %swap3A_520 = vector.shape_cast %swap3A_519 : vector<1x16xf32> to vector<16xf32>
        %swap3A_521 = vector.shape_cast %get3A_498 : vector<16xf32> to vector<1x16xf32>
        tpu.vector_store %arg9[%swap3A_517, %swap3A_518], %swap3A_521 {add = true, strides = array<i32>} : memref<800x32xf32, #tpu.memory_space<vmem>>, vector<1x16xf32>,
        %swap3A_522 = arith.index_cast %add3A_516 : i32 to index
        %swap3A_523 = arith.constant 16 : index
        %swap3A_524 = tpu.vector_load %arg9[%swap3A_522, %swap3A_523] {strides = array<i32>} : memref<800x32xf32, #tpu.memory_space<vmem>>, vector<1x16xf32>,
        %swap3A_525 = vector.shape_cast %swap3A_524 : vector<1x16xf32> to vector<16xf32>
        %swap3A_526 = vector.shape_cast %get3A_502 : vector<16xf32> to vector<1x16xf32>
        tpu.vector_store %arg9[%swap3A_522, %swap3A_523], %swap3A_526 {add = true, strides = array<i32>} : memref<800x32xf32, #tpu.memory_space<vmem>>, vector<1x16xf32>,
        %add3A_527 = arith.constant 400 : i32
        %add3A_528 = arith.addi %add3A_527, %add3A_494 : i32
        %swap3A_529 = arith.index_cast %add3A_528 : i32 to index
        %swap3A_530 = arith.constant 0 : index
        %swap3A_531 = tpu.vector_load %arg9[%swap3A_529, %swap3A_530] {strides = array<i32>} : memref<800x32xf32, #tpu.memory_space<vmem>>, vector<1x16xf32>,
        %swap3A_532 = vector.shape_cast %swap3A_531 : vector<1x16xf32> to vector<16xf32>
        %swap3A_533 = vector.shape_cast %get3A_498 : vector<16xf32> to vector<1x16xf32>
        tpu.vector_store %arg9[%swap3A_529, %swap3A_530], %swap3A_533 {add = true, strides = array<i32>} : memref<800x32xf32, #tpu.memory_space<vmem>>, vector<1x16xf32>,
        %swap3A_534 = arith.index_cast %add3A_528 : i32 to index
        %swap3A_535 = arith.constant 16 : index
        %swap3A_536 = tpu.vector_load %arg9[%swap3A_534, %swap3A_535] {strides = array<i32>} : memref<800x32xf32, #tpu.memory_space<vmem>>, vector<1x16xf32>,
        %swap3A_537 = vector.shape_cast %swap3A_536 : vector<1x16xf32> to vector<16xf32>
        %swap3A_538 = vector.shape_cast %get3A_502 : vector<16xf32> to vector<1x16xf32>
        tpu.vector_store %arg9[%swap3A_534, %swap3A_535], %swap3A_538 {add = true, strides = array<i32>} : memref<800x32xf32, #tpu.memory_space<vmem>>, vector<1x16xf32>,
        %add3A_539 = arith.constant 600 : i32
        %add3A_540 = arith.addi %add3A_539, %add3A_494 : i32
        %swap3A_541 = arith.index_cast %add3A_540 : i32 to index
        %swap3A_542 = arith.constant 0 : index
        %swap3A_543 = tpu.vector_load %arg9[%swap3A_541, %swap3A_542] {strides = array<i32>} : memref<800x32xf32, #tpu.memory_space<vmem>>, vector<1x16xf32>,
        %swap3A_544 = vector.shape_cast %swap3A_543 : vector<1x16xf32> to vector<16xf32>
        %swap3A_545 = vector.shape_cast %get3A_498 : vector<16xf32> to vector<1x16xf32>
        tpu.vector_store %arg9[%swap3A_541, %swap3A_542], %swap3A_545 {add = true, strides = array<i32>} : memref<800x32xf32, #tpu.memory_space<vmem>>, vector<1x16xf32>,
        %swap3A_546 = arith.index_cast %add3A_540 : i32 to index
        %swap3A_547 = arith.constant 16 : index
        %swap3A_548 = tpu.vector_load %arg9[%swap3A_546, %swap3A_547] {strides = array<i32>} : memref<800x32xf32, #tpu.memory_space<vmem>>, vector<1x16xf32>,
        %swap3A_549 = vector.shape_cast %swap3A_548 : vector<1x16xf32> to vector<16xf32>
        %swap3A_550 = vector.shape_cast %get3A_502 : vector<16xf32> to vector<1x16xf32>
        tpu.vector_store %arg9[%swap3A_546, %swap3A_547], %swap3A_550 {add = true, strides = array<i32>} : memref<800x32xf32, #tpu.memory_space<vmem>>, vector<1x16xf32>,
        %mul3A_551 = arith.constant 8 : i32
        %mul3A_552 = arith.muli %scan3A_192, %mul3A_551 : i32
        %add3A_553 = arith.constant 6 : i32
        %add3A_554 = arith.addi %mul3A_552, %add3A_553 : i32
        %get3A_555 = arith.index_cast %add3A_554 : i32 to index
        %get3A_556 = arith.constant 0 : index
        %get3A_557 = tpu.vector_load %arg10[%get3A_555, %get3A_556] {strides = array<i32>} : memref<200x32xf32, #tpu.memory_space<vmem>>, vector<1x16xf32>,
        %get3A_558 = vector.shape_cast %get3A_557 : vector<1x16xf32> to vector<16xf32>
        %get3A_559 = arith.index_cast %add3A_554 : i32 to index
        %get3A_560 = arith.constant 16 : index
        %get3A_561 = tpu.vector_load %arg10[%get3A_559, %get3A_560] {strides = array<i32>} : memref<200x32xf32, #tpu.memory_space<vmem>>, vector<1x16xf32>,
        %get3A_562 = vector.shape_cast %get3A_561 : vector<1x16xf32> to vector<16xf32>
        %add3A_563 = arith.constant 0 : i32
        %add3A_564 = arith.addi %add3A_563, %add3A_554 : i32
        %swap3A_565 = arith.index_cast %add3A_564 : i32 to index
        %swap3A_566 = arith.constant 0 : index
        %swap3A_567 = tpu.vector_load %arg9[%swap3A_565, %swap3A_566] {strides = array<i32>} : memref<800x32xf32, #tpu.memory_space<vmem>>, vector<1x16xf32>,
        %swap3A_568 = vector.shape_cast %swap3A_567 : vector<1x16xf32> to vector<16xf32>
        %swap3A_569 = vector.shape_cast %get3A_558 : vector<16xf32> to vector<1x16xf32>
        tpu.vector_store %arg9[%swap3A_565, %swap3A_566], %swap3A_569 {add = true, strides = array<i32>} : memref<800x32xf32, #tpu.memory_space<vmem>>, vector<1x16xf32>,
        %swap3A_570 = arith.index_cast %add3A_564 : i32 to index
        %swap3A_571 = arith.constant 16 : index
        %swap3A_572 = tpu.vector_load %arg9[%swap3A_570, %swap3A_571] {strides = array<i32>} : memref<800x32xf32, #tpu.memory_space<vmem>>, vector<1x16xf32>,
        %swap3A_573 = vector.shape_cast %swap3A_572 : vector<1x16xf32> to vector<16xf32>
        %swap3A_574 = vector.shape_cast %get3A_562 : vector<16xf32> to vector<1x16xf32>
        tpu.vector_store %arg9[%swap3A_570, %swap3A_571], %swap3A_574 {add = true, strides = array<i32>} : memref<800x32xf32, #tpu.memory_space<vmem>>, vector<1x16xf32>,
        %add3A_575 = arith.constant 200 : i32
        %add3A_576 = arith.addi %add3A_575, %add3A_554 : i32
        %swap3A_577 = arith.index_cast %add3A_576 : i32 to index
        %swap3A_578 = arith.constant 0 : index
        %swap3A_579 = tpu.vector_load %arg9[%swap3A_577, %swap3A_578] {strides = array<i32>} : memref<800x32xf32, #tpu.memory_space<vmem>>, vector<1x16xf32>,
        %swap3A_580 = vector.shape_cast %swap3A_579 : vector<1x16xf32> to vector<16xf32>
        %swap3A_581 = vector.shape_cast %get3A_558 : vector<16xf32> to vector<1x16xf32>
        tpu.vector_store %arg9[%swap3A_577, %swap3A_578], %swap3A_581 {add = true, strides = array<i32>} : memref<800x32xf32, #tpu.memory_space<vmem>>, vector<1x16xf32>,
        %swap3A_582 = arith.index_cast %add3A_576 : i32 to index
        %swap3A_583 = arith.constant 16 : index
        %swap3A_584 = tpu.vector_load %arg9[%swap3A_582, %swap3A_583] {strides = array<i32>} : memref<800x32xf32, #tpu.memory_space<vmem>>, vector<1x16xf32>,
        %swap3A_585 = vector.shape_cast %swap3A_584 : vector<1x16xf32> to vector<16xf32>
        %swap3A_586 = vector.shape_cast %get3A_562 : vector<16xf32> to vector<1x16xf32>
        tpu.vector_store %arg9[%swap3A_582, %swap3A_583], %swap3A_586 {add = true, strides = array<i32>} : memref<800x32xf32, #tpu.memory_space<vmem>>, vector<1x16xf32>,
        %add3A_587 = arith.constant 400 : i32
        %add3A_588 = arith.addi %add3A_587, %add3A_554 : i32
        %swap3A_589 = arith.index_cast %add3A_588 : i32 to index
        %swap3A_590 = arith.constant 0 : index
        %swap3A_591 = tpu.vector_load %arg9[%swap3A_589, %swap3A_590] {strides = array<i32>} : memref<800x32xf32, #tpu.memory_space<vmem>>, vector<1x16xf32>,
        %swap3A_592 = vector.shape_cast %swap3A_591 : vector<1x16xf32> to vector<16xf32>
        %swap3A_593 = vector.shape_cast %get3A_558 : vector<16xf32> to vector<1x16xf32>
        tpu.vector_store %arg9[%swap3A_589, %swap3A_590], %swap3A_593 {add = true, strides = array<i32>} : memref<800x32xf32, #tpu.memory_space<vmem>>, vector<1x16xf32>,
        %swap3A_594 = arith.index_cast %add3A_588 : i32 to index
        %swap3A_595 = arith.constant 16 : index
        %swap3A_596 = tpu.vector_load %arg9[%swap3A_594, %swap3A_595] {strides = array<i32>} : memref<800x32xf32, #tpu.memory_space<vmem>>, vector<1x16xf32>,
        %swap3A_597 = vector.shape_cast %swap3A_596 : vector<1x16xf32> to vector<16xf32>
        %swap3A_598 = vector.shape_cast %get3A_562 : vector<16xf32> to vector<1x16xf32>
        tpu.vector_store %arg9[%swap3A_594, %swap3A_595], %swap3A_598 {add = true, strides = array<i32>} : memref<800x32xf32, #tpu.memory_space<vmem>>, vector<1x16xf32>,
        %add3A_599 = arith.constant 600 : i32
        %add3A_600 = arith.addi %add3A_599, %add3A_554 : i32
        %swap3A_601 = arith.index_cast %add3A_600 : i32 to index
        %swap3A_602 = arith.constant 0 : index
        %swap3A_603 = tpu.vector_load %arg9[%swap3A_601, %swap3A_602] {strides = array<i32>} : memref<800x32xf32, #tpu.memory_space<vmem>>, vector<1x16xf32>,
        %swap3A_604 = vector.shape_cast %swap3A_603 : vector<1x16xf32> to vector<16xf32>
        %swap3A_605 = vector.shape_cast %get3A_558 : vector<16xf32> to vector<1x16xf32>
        tpu.vector_store %arg9[%swap3A_601, %swap3A_602], %swap3A_605 {add = true, strides = array<i32>} : memref<800x32xf32, #tpu.memory_space<vmem>>, vector<1x16xf32>,
        %swap3A_606 = arith.index_cast %add3A_600 : i32 to index
        %swap3A_607 = arith.constant 16 : index
        %swap3A_608 = tpu.vector_load %arg9[%swap3A_606, %swap3A_607] {strides = array<i32>} : memref<800x32xf32, #tpu.memory_space<vmem>>, vector<1x16xf32>,
        %swap3A_609 = vector.shape_cast %swap3A_608 : vector<1x16xf32> to vector<16xf32>
        %swap3A_610 = vector.shape_cast %get3A_562 : vector<16xf32> to vector<1x16xf32>
        tpu.vector_store %arg9[%swap3A_606, %swap3A_607], %swap3A_610 {add = true, strides = array<i32>} : memref<800x32xf32, #tpu.memory_space<vmem>>, vector<1x16xf32>,
        %mul3A_611 = arith.constant 8 : i32
        %mul3A_612 = arith.muli %scan3A_192, %mul3A_611 : i32
        %add3A_613 = arith.constant 7 : i32
        %add3A_614 = arith.addi %mul3A_612, %add3A_613 : i32
        %get3A_615 = arith.index_cast %add3A_614 : i32 to index
        %get3A_616 = arith.constant 0 : index
        %get3A_617 = tpu.vector_load %arg10[%get3A_615, %get3A_616] {strides = array<i32>} : memref<200x32xf32, #tpu.memory_space<vmem>>, vector<1x16xf32>,
        %get3A_618 = vector.shape_cast %get3A_617 : vector<1x16xf32> to vector<16xf32>
        %get3A_619 = arith.index_cast %add3A_614 : i32 to index
        %get3A_620 = arith.constant 16 : index
        %get3A_621 = tpu.vector_load %arg10[%get3A_619, %get3A_620] {strides = array<i32>} : memref<200x32xf32, #tpu.memory_space<vmem>>, vector<1x16xf32>,
        %get3A_622 = vector.shape_cast %get3A_621 : vector<1x16xf32> to vector<16xf32>
        %add3A_623 = arith.constant 0 : i32
        %add3A_624 = arith.addi %add3A_623, %add3A_614 : i32
        %swap3A_625 = arith.index_cast %add3A_624 : i32 to index
        %swap3A_626 = arith.constant 0 : index
        %swap3A_627 = tpu.vector_load %arg9[%swap3A_625, %swap3A_626] {strides = array<i32>} : memref<800x32xf32, #tpu.memory_space<vmem>>, vector<1x16xf32>,
        %swap3A_628 = vector.shape_cast %swap3A_627 : vector<1x16xf32> to vector<16xf32>
        %swap3A_629 = vector.shape_cast %get3A_618 : vector<16xf32> to vector<1x16xf32>
        tpu.vector_store %arg9[%swap3A_625, %swap3A_626], %swap3A_629 {add = true, strides = array<i32>} : memref<800x32xf32, #tpu.memory_space<vmem>>, vector<1x16xf32>,
        %swap3A_630 = arith.index_cast %add3A_624 : i32 to index
        %swap3A_631 = arith.constant 16 : index
        %swap3A_632 = tpu.vector_load %arg9[%swap3A_630, %swap3A_631] {strides = array<i32>} : memref<800x32xf32, #tpu.memory_space<vmem>>, vector<1x16xf32>,
        %swap3A_633 = vector.shape_cast %swap3A_632 : vector<1x16xf32> to vector<16xf32>
        %swap3A_634 = vector.shape_cast %get3A_622 : vector<16xf32> to vector<1x16xf32>
        tpu.vector_store %arg9[%swap3A_630, %swap3A_631], %swap3A_634 {add = true, strides = array<i32>} : memref<800x32xf32, #tpu.memory_space<vmem>>, vector<1x16xf32>,
        %add3A_635 = arith.constant 200 : i32
        %add3A_636 = arith.addi %add3A_635, %add3A_614 : i32
        %swap3A_637 = arith.index_cast %add3A_636 : i32 to index
        %swap3A_638 = arith.constant 0 : index
        %swap3A_639 = tpu.vector_load %arg9[%swap3A_637, %swap3A_638] {strides = array<i32>} : memref<800x32xf32, #tpu.memory_space<vmem>>, vector<1x16xf32>,
        %swap3A_640 = vector.shape_cast %swap3A_639 : vector<1x16xf32> to vector<16xf32>
        %swap3A_641 = vector.shape_cast %get3A_618 : vector<16xf32> to vector<1x16xf32>
        tpu.vector_store %arg9[%swap3A_637, %swap3A_638], %swap3A_641 {add = true, strides = array<i32>} : memref<800x32xf32, #tpu.memory_space<vmem>>, vector<1x16xf32>,
        %swap3A_642 = arith.index_cast %add3A_636 : i32 to index
        %swap3A_643 = arith.constant 16 : index
        %swap3A_644 = tpu.vector_load %arg9[%swap3A_642, %swap3A_643] {strides = array<i32>} : memref<800x32xf32, #tpu.memory_space<vmem>>, vector<1x16xf32>,
        %swap3A_645 = vector.shape_cast %swap3A_644 : vector<1x16xf32> to vector<16xf32>
        %swap3A_646 = vector.shape_cast %get3A_622 : vector<16xf32> to vector<1x16xf32>
        tpu.vector_store %arg9[%swap3A_642, %swap3A_643], %swap3A_646 {add = true, strides = array<i32>} : memref<800x32xf32, #tpu.memory_space<vmem>>, vector<1x16xf32>,
        %add3A_647 = arith.constant 400 : i32
        %add3A_648 = arith.addi %add3A_647, %add3A_614 : i32
        %swap3A_649 = arith.index_cast %add3A_648 : i32 to index
        %swap3A_650 = arith.constant 0 : index
        %swap3A_651 = tpu.vector_load %arg9[%swap3A_649, %swap3A_650] {strides = array<i32>} : memref<800x32xf32, #tpu.memory_space<vmem>>, vector<1x16xf32>,
        %swap3A_652 = vector.shape_cast %swap3A_651 : vector<1x16xf32> to vector<16xf32>
        %swap3A_653 = vector.shape_cast %get3A_618 : vector<16xf32> to vector<1x16xf32>
        tpu.vector_store %arg9[%swap3A_649, %swap3A_650], %swap3A_653 {add = true, strides = array<i32>} : memref<800x32xf32, #tpu.memory_space<vmem>>, vector<1x16xf32>,
        %swap3A_654 = arith.index_cast %add3A_648 : i32 to index
        %swap3A_655 = arith.constant 16 : index
        %swap3A_656 = tpu.vector_load %arg9[%swap3A_654, %swap3A_655] {strides = array<i32>} : memref<800x32xf32, #tpu.memory_space<vmem>>, vector<1x16xf32>,
        %swap3A_657 = vector.shape_cast %swap3A_656 : vector<1x16xf32> to vector<16xf32>
        %swap3A_658 = vector.shape_cast %get3A_622 : vector<16xf32> to vector<1x16xf32>
        tpu.vector_store %arg9[%swap3A_654, %swap3A_655], %swap3A_658 {add = true, strides = array<i32>} : memref<800x32xf32, #tpu.memory_space<vmem>>, vector<1x16xf32>,
        %add3A_659 = arith.constant 600 : i32
        %add3A_660 = arith.addi %add3A_659, %add3A_614 : i32
        %swap3A_661 = arith.index_cast %add3A_660 : i32 to index
        %swap3A_662 = arith.constant 0 : index
        %swap3A_663 = tpu.vector_load %arg9[%swap3A_661, %swap3A_662] {strides = array<i32>} : memref<800x32xf32, #tpu.memory_space<vmem>>, vector<1x16xf32>,
        %swap3A_664 = vector.shape_cast %swap3A_663 : vector<1x16xf32> to vector<16xf32>
        %swap3A_665 = vector.shape_cast %get3A_618 : vector<16xf32> to vector<1x16xf32>
        tpu.vector_store %arg9[%swap3A_661, %swap3A_662], %swap3A_665 {add = true, strides = array<i32>} : memref<800x32xf32, #tpu.memory_space<vmem>>, vector<1x16xf32>,
        %swap3A_666 = arith.index_cast %add3A_660 : i32 to index
        %swap3A_667 = arith.constant 16 : index
        %swap3A_668 = tpu.vector_load %arg9[%swap3A_666, %swap3A_667] {strides = array<i32>} : memref<800x32xf32, #tpu.memory_space<vmem>>, vector<1x16xf32>,
        %swap3A_669 = vector.shape_cast %swap3A_668 : vector<1x16xf32> to vector<16xf32>
        %swap3A_670 = vector.shape_cast %get3A_622 : vector<16xf32> to vector<1x16xf32>
        tpu.vector_store %arg9[%swap3A_666, %swap3A_667], %swap3A_670 {add = true, strides = array<i32>} : memref<800x32xf32, #tpu.memory_space<vmem>>, vector<1x16xf32>,
      }
      %scan3A_187 = arith.constant 25 : i32
      %dma_start3A_188 = arith.constant 0 : i32
      %dma_start3A_189 = tpu.memref_slice %arg5[%add3A_151, %dma_start3A_188] : memref<819200x32xf32, #tpu.memory_space<hbm>> -> memref<800x32xf32, #tpu.memory_space<hbm>>
      %dma_start3A_190 = arith.constant 0 : i32
      %dma_start3A_191 = tpu.memref_slice %arg5[%add3A_151, %dma_start3A_190] : memref<819200x32xf32, #tpu.memory_space<hbm>> -> memref<800x32xf32, #tpu.memory_space<hbm>>
      tpu.enqueue_dma source(%arg9 : memref<800x32xf32, #tpu.memory_space<vmem>>) target(%dma_start3A_191 : memref<800x32xf32, #tpu.memory_space<hbm>>) target_semaphore(%arg16 : memref<!tpu.dma_semaphore, #tpu.memory_space<semaphore_mem>>)
    }
    %scan3A_90 = arith.constant 16 : i32
    %dma_wait3A = arith.constant 0 : i32
    %dma_wait3A_91 = arith.constant 0 : i32
    %dma_wait3A_92 = tpu.memref_slice %arg5[%dma_wait3A, %dma_wait3A_91] : memref<819200x32xf32, #tpu.memory_space<hbm>> -> memref<800x32xf32, #tpu.memory_space<hbm>>
    %dma_wait3A_93 = arith.constant 0 : i32
    %dma_wait3A_94 = arith.constant 0 : i32
    %dma_wait3A_95 = tpu.memref_slice %arg5[%dma_wait3A_93, %dma_wait3A_94] : memref<819200x32xf32, #tpu.memory_space<hbm>> -> memref<800x32xf32, #tpu.memory_space<hbm>>
    tpu.wait_dma2 semaphore(%arg15 : memref<!tpu.dma_semaphore, #tpu.memory_space<semaphore_mem>>) src(%arg8 : memref<800x32xf32, #tpu.memory_space<vmem>>) dst(%dma_wait3A_95 : memref<800x32xf32, #tpu.memory_space<hbm>>)
    %dma_wait3A_96 = arith.constant 0 : i32
    %dma_wait3A_97 = arith.constant 0 : i32
    %dma_wait3A_98 = tpu.memref_slice %arg5[%dma_wait3A_96, %dma_wait3A_97] : memref<819200x32xf32, #tpu.memory_space<hbm>> -> memref<800x32xf32, #tpu.memory_space<hbm>>
    %dma_wait3A_99 = arith.constant 0 : i32
    %dma_wait3A_100 = arith.constant 0 : i32
    %dma_wait3A_101 = tpu.memref_slice %arg5[%dma_wait3A_99, %dma_wait3A_100] : memref<819200x32xf32, #tpu.memory_space<hbm>> -> memref<800x32xf32, #tpu.memory_space<hbm>>
    tpu.wait_dma2 semaphore(%arg16 : memref<!tpu.dma_semaphore, #tpu.memory_space<semaphore_mem>>) src(%arg9 : memref<800x32xf32, #tpu.memory_space<vmem>>) dst(%dma_wait3A_101 : memref<800x32xf32, #tpu.memory_space<hbm>>)
    return
  }
}

</mosaic_0001>

<sc_bundles>
// kernel: kernel.3.cloned.1.call-start
scs
__scs_entry_jumppad:
0x0: {  	(pc) =	sbr.rel $0x88, $3  }
0x1: {  	(tag) =	ssettag $0x0;
	lr =	simm.s32 $0x1  }
0x2: {  	[smem:$0x3F9E] =	sst lr;
	_ =	strace $0xD0000000  }
0x3: {  	_ = 	snop  }
0x4: {  	_ = 	snop  }
0x5: {  	_ = 	snop  }
0x6: {  	_ = 	snop  }
0x7: {  	_ = 	snop  }
__scs_overlays_trampoline_lowered:
0x8: {  	[smem:$0x3FAD] =	sst s0  }
0x9: {  	[smem:$0x3FAE] =	sst s1  }
0xa: {  	[smem:$0x3FAF] =	sst s2  }
0xb: {  	[smem:$0x3FB0] =	sst s3  }
0xc: {  	[smem:$0x3FB1] =	sst s4  }
0xd: {  	[smem:$0x3FB2] =	sst s5  }
0xe: {  	[smem:$0x3FB3] =	sst s6  }
0xf: {  	[smem:$0x3FB4] =	sst s7  }
0x10: {  	[smem:$0x3FB5] =	sst s8  }
0x11: {  	[smem:$0x3FB6] =	sst s9;
	s0 =	simm.s32 @!p0 $0x0  }
0x12: {  	s1 =	sld [smem:$0x3F9C];
	s0 =	simm.s32 @p0 $0x1  }
0x13: {  	[smem:$0x3FB7] =	sst s0;
	s0 =	simm.s32 @!p1 $0x0  }
0x14: {  	s2 =	sld [smem:$0x3F9B];
	s0 =	simm.s32 @p1 $0x1  }
0x15: {  	[smem:$0x3FB8] =	sst s0;
	s0 =	simm.s32 @!p2 $0x0  }
0x16: {  	s3 =	sld [smem:$0x3FDB];
	s0 =	simm.s32 @p2 $0x1  }
0x17: {  	s4 =	simm.s32 $0x1BF5;
	[smem:$0x3FBA] =	sst s0  }
0x18: {  	s0 =	sld [smem:$0x3F9D];
	_ =	swait.ge [sflag:s4], $0x0  }
0x19: {  	s7 =	sld [smem:$0x3F9E]  }
0x1a: {  	s8 =	sadd.s32 $0xFFFFE003, lr  }
0x1b: {  	s9 =	sadd.s32 $0xFFFFFEF7, lr;
	s5 =	simm.s32 $0xFFFFFFFF;
	p2 =	slt.u32 s8, $0xFFFFF086  }
0x1c: {  	p1 =	slt.u32 s9, $0xF7A;
	s5 =	simm.s32 @!p2 $0x0  }
0x1d: {  	s5 =	simm.s32 @p1 $0x1;
	p0 =	seq.s32 s7, s2  }
0x1e: {  	s7 =	smul.u32 @!p0 $0xF7A, s2;
	p2 =	seq.s32 @!p0 s5, $0x0  }
0x1f: {  	s9 =	smul.u32 $0xF7A, s1;
	s8 =	simm.s32 @!p0 $0x1BF5;
	p2 =	por !p2, p0  }
0x20: {  	[sflag:s8] =	ssyncset.s32 @!p0 $0xFFFFF086;
	s6 =	sadd.s32 @!p0 s3, s7;
	s7 =	simm.s32 @!p0 $0x108  }
0x21: {  	s3 =	sadd.s32 s3, s9;
	s6 =	sadd.s32 @!p0 $0x88, s6;
	s7 =	simm.s32 @p2 $0x1082  }
0x22: {  	[simem:s7], [sflag:s8] =	dma.local @!p0 [hbm:s6], $0xF7A  }
0x23: {  	s9 =	sor.u32 $0xD0000000, s2;
	s6 =	simm.s32 $0x108;
	_ =	swait.ge @!p0 [sflag:s8], $0x0  }
0x24: {  	s3 =	sadd.s32 $0x88, s3;
	s6 =	simm.s32 @!p1 $0x1082;
	[sflag:s4] =	ssyncset.s32 $0xFFFFF086  }
0x25: {  	[simem:s6], [sflag:s4] =	dma.local [hbm:s3], $0xF7A  }
0x26: {  	[smem:$0x3F9E] =	sst s1;
	(tag) =	ssettag s2;
	_ =	strace s9  }
0x27: {  	s1 =	sld [smem:$0x3FAE]  }
0x28: {  	s2 =	sld [smem:$0x3FAF]  }
0x29: {  	s4 =	sld [smem:$0x3FB1]  }
0x2a: {  	p0 =	seq.s32 s5, $0x0;
	s5 =	sld [smem:$0x3FB2]  }
0x2b: {  	s6 =	sld [smem:$0x3FB3]  }
0x2c: {  	s7 =	sld [smem:$0x3FB4]  }
0x2d: {  	s3 =	simm.s32 $0x108;
	s8 =	sld [smem:$0x3FB5]  }
0x2e: {  	s3 =	simm.s32 @!p0 $0x1082;
	s9 =	sld [smem:$0x3FB6]  }
0x2f: {  	lr =	sadd.s32 s0, s3;
	s0 =	sld [smem:$0x3FAD]  }
0x30: {  	s3 =	sld [smem:$0x3FB0]  }
0x31: {  	[smem:$0x3FB9] =	sst s10  }
0x32: {  	s10 =	sld [smem:$0x3FB7];
	_ =	sdelay $0x3  }
0x33: {  	p0 =	seq.s32 s10, $0x1;
	s10 =	sld [smem:$0x3FB9];
	_ =	sdelay $0x3  }
0x34: {  	[smem:$0x3FB9] =	sst s10  }
0x35: {  	s10 =	sld [smem:$0x3FB8];
	_ =	sdelay $0x3  }
0x36: {  	p1 =	seq.s32 s10, $0x1;
	s10 =	sld [smem:$0x3FB9];
	_ =	sdelay $0x3  }
0x37: {  	[smem:$0x3FB9] =	sst s10  }
0x38: {  	s10 =	sld [smem:$0x3FBA]  }
0x39: {  	_ = 	snop;
	(pc) =	sbr.ind lr, $3  }
0x3a: {  	_ = 	snop  }
0x3b: {  	_ = 	snop  }
0x3c: {  	p2 =	seq.s32 s10, $0x1;
	s10 =	sld [smem:$0x3FB9]  }
0x3d: {  	_ =	shalt  }
0x3e: {  	_ =	shalt  }
0x3f: {  	_ =	shalt  }
0x40: {  	_ =	shalt  }
0x41: {  	_ =	shalt  }
0x42: {  	_ =	shalt  }
0x43: {  	_ =	shalt  }
0x44: {  	_ =	shalt  }
0x45: {  	_ =	shalt  }
0x46: {  	_ =	shalt  }
0x47: {  	_ =	shalt  }
0x48: {  	_ =	shalt  }
0x49: {  	_ =	shalt  }
0x4a: {  	_ =	shalt  }
0x4b: {  	_ =	shalt  }
0x4c: {  	_ =	shalt  }
0x4d: {  	_ =	shalt  }
0x4e: {  	_ =	shalt  }
0x4f: {  	_ =	shalt  }
0x50: {  	_ =	shalt  }
0x51: {  	_ =	shalt  }
0x52: {  	_ =	shalt  }
0x53: {  	_ =	shalt  }
0x54: {  	_ =	shalt  }
0x55: {  	_ =	shalt  }
0x56: {  	_ =	shalt  }
0x57: {  	_ =	shalt  }
0x58: {  	_ =	shalt  }
0x59: {  	_ =	shalt  }
0x5a: {  	_ =	shalt  }
0x5b: {  	_ =	shalt  }
0x5c: {  	_ =	shalt  }
0x5d: {  	_ =	shalt  }
0x5e: {  	_ =	shalt  }
0x5f: {  	_ =	shalt  }
0x60: {  	_ =	shalt  }
0x61: {  	_ =	shalt  }
0x62: {  	_ =	shalt  }
0x63: {  	_ =	shalt  }
0x64: {  	_ =	shalt  }
0x65: {  	_ =	shalt  }
0x66: {  	_ =	shalt  }
0x67: {  	_ =	shalt  }
0x68: {  	_ =	shalt  }
0x69: {  	_ =	shalt  }
0x6a: {  	_ =	shalt  }
0x6b: {  	_ =	shalt  }
0x6c: {  	_ =	shalt  }
0x6d: {  	_ =	shalt  }
0x6e: {  	_ =	shalt  }
0x6f: {  	_ =	shalt  }
0x70: {  	_ =	shalt  }
0x71: {  	_ =	shalt  }
0x72: {  	_ =	shalt  }
0x73: {  	_ =	shalt  }
0x74: {  	_ =	shalt  }
0x75: {  	_ =	shalt  }
0x76: {  	_ =	shalt  }
0x77: {  	_ =	shalt  }
0x78: {  	_ =	shalt  }
0x79: {  	_ =	shalt  }
0x7a: {  	_ =	shalt  }
0x7b: {  	_ =	shalt  }
0x7c: {  	_ =	shalt  }
0x7d: {  	_ =	shalt  }
0x7e: {  	_ =	shalt  }
0x7f: {  	_ =	shalt  }
0x80: {  	_ =	shalt  }
0x81: {  	_ =	shalt  }
0x82: {  	_ =	shalt  }
0x83: {  	_ =	shalt  }
0x84: {  	_ =	shalt  }
0x85: {  	_ =	shalt  }
0x86: {  	_ =	shalt  }
0x87: {  	_ =	shalt  }
.Lfunc_end0:
.L_simem_size_0:
called_computation.1_lowered:
.L_overlay_start_0:
0x88: {  	s2 =	sld [smem:$0x3FD9]  }
0x89: {  	s3 =	sld [smem:$0x3FFE];
	_ =	sdelay $0x1  }
0x8a: {  	s1 =	srdreg.scid  }
0x8b: {  	s0 =	sand.u32 $0x1, s1  }
0x8c: {  	s17 =	sshll.u32 s0, $0xA;
	s2 =	sadd.s32 s3, s2  }
0x8d: {  	s2 =	sadd.s32 s2, s17  }
0x8e: {  	[smem:$0x3FC5] =	sst s2  }
0x8f: {  	_ = 	snop  }
0x90: {  	s2 =	sld [smem:$0x3FD0];
	(tm) =	ssettm $0x1  }
0x91: {  	s18 =	sld [smem:$0x3FFB];
	_ =	sdelay $0x3  }
0x92: {  	_ =	strace s18  }
0x93: {  	s3 =	sld [smem:$0x3FFC];
	_ =	sdelay $0x3  }
0x94: {  	_ =	strace s3  }
0x95: {  	s3 =	sld [smem:$0x3FFD];
	_ =	sdelay $0x3  }
0x96: {  	_ =	strace s3  }
0x97: {  	_ =	strace $0x8FFFFFFF  }
0x98: {  	s19 =	sld [smem:$0x3FDB];
	_ =	sdelay $0x1  }
0x99: {  	s4 =	simm.s32 $_scs_section_size  }
0x9a: {  	s5 =	simm.s32 $_size__tile_overlayer_lowered;
	s6 =	simm.s32 $_tile_overlayer_lowered  }
0x9b: {  	s22 =	simm.s32 $0x1BFF;
	s21 =	sshll.u32 s6, $0x1;
	s3 =	sadd.s32 s4, s19  }
0x9c: {  	s7 =	simm.s32 $0x0;
	s20 =	sshll.u32 s5, $0x1;
	s5 =	sadd.s32 s21, s3  }
0x9d: {  	[timem:s7], [sflag:s22] =	dma.local [hbm:s5], s20  }
0x9e: {  	_ =	swait.ge [sflag:s22], s20  }
0x9f: {  	s4 =	ssub.s32 $0x0, s20;
	[sflag:s22] =	ssyncset.done $0x0  }
0xa0: {  	[sflag:s22] =	ssyncadd.s32 s4;
	_ =	sdelay $0x1  }
0xa1: {  	s23 =	simm.s32 $0x1B8B  }
0xa2: {  	_ =	swait.ge [sflag:s23], $0x1  }
0xa3: {  	[sflag:s23] =	ssyncset.done $0x0  }
0xa4: {  	s25 =	simm.s32 $0x1B8E;
	s24 =	sld [smem:$0x3FFE];
	[sflag:s23] =	ssyncadd.s32 $0xFFFFFFFF  }
0xa5: {  	s26 =	simm.s32 $execute0_lowered;
	[smem:$0x3FD2] =	sst s25  }
0xa6: {  	s5 =	sshll.u32 s26, $0x1;
	_ =	strace $0x80000046;
	[dreg:$0x1] =	wrdreg $0xFFFFFFFF  }
0xa7: {  	s28 =	simm.s32 $_size_execute0_lowered;
	s3 =	sadd.s32 s3, s5;
	[dreg:$0x0] =	wrdreg $0x0  }
0xa8: {  	s5 =	sshll.u32 s28, $0x1;
	[dreg:$0x2] =	wrdreg s3  }
0xa9: {  	[dreg:$0x3] =	wrdreg s5  }
0xaa: {  	[dreg:$0x4] =	wrdreg $0xC0  }
0xab: {  	_ =	task [dreg:s7], $0x5FFFF  }
0xac: {  	[dreg:$0x1] =	wrdreg $0xFFFFFFFF  }
0xad: {  	[dreg:$0x0] =	wrdreg $0x60  }
0xae: {  	[dreg:$0x2] =	wrdreg s24  }
0xaf: {  	[dreg:$0x3] =	wrdreg s2  }
0xb0: {  	[dreg:$0x4] =	wrdreg $0x9  }
0xb1: {  	_ =	task.clear_ibuf [dreg:s7], $0x5FFFF;
	_ =	strace $0x90000046  }
0xb2: {  	s29 =	simm.s32 $0x9;
	_ =	strace $0x80000048  }
0xb3: {  	_ =	swait.ge [sflag:s29], $0x1  }
0xb4: {  	[sflag:s29] =	ssyncadd.s32 $0xFFFFFFFF  }
0xb5: {  	_ =	strace $0x90000048  }
0xb6: {  	_ =	sfence  }
0xb7: {  	s30 =	sld [smem:$0x0];
	_ =	sdelay $0x2  }
0xb8: {  	s31 =	sshll.u32 s1, $0xD;
	s1 =	sshrl.u32 s1, $0x2  }
0xb9: {  	s3 =	sand.u32 $0x4000, s31;
	s1 =	sadd.s32 s1, s30  }
0xba: {  	s0 =	sor.u32 s3, s0;
	s1 =	sshll.u32 s1, $0x11  }
0xbb: {  	s0 =	sor.u32 s1, s0  }
0xbc: {  	s0 =	sadd.s32 $0x8F2B, s0  }
0xbd: {  	[sflag:s0] =	ssyncadd.remote.s32 $0x1  }
0xbe: {  	_ =	sfence.sel $0xFFFF  }
0xbf: {  	[dreg:$0x0] =	wrdreg $0xFFFFFFFF;
	(pc) =	sbr.abs _section_cstart, $3  }
0xc0: {  	[dreg:$0x1] =	wrdreg $0xFFFFFFFF  }
0xc1: {  	_ =	task.clear_ibuf [dreg:s7], $0x2FFFF;
	_ =	strace $0x9FFFFFFF  }
0xc2: {  	(tm) =	ssettm $0x7FFFFFFF  }
0xc3: {  	_ =	shalt  }
tec
execute0_lowered:
.L_overlay_start_1:
0x0: {  	(tag) =	ssettag $0x1  }
0x1: {  	s0 =	rddreg [dreg:$0x0];
	s1 =	srdreg.scid  }
0x2: {  	s3 =	stileid.u32;
	s2 =	rddreg [dreg:$0x1]  }
0x3: {  	s14 =	simm.s32 $0x50;
	s12 =	simm.s32 $0x320;
	s16 =	simm.s32 $0x4  }
0x4: {  	s17 =	simm.s32 $0x6A40;
	s22 =	simm.s32 $0x410;
	s23 =	simm.s32 $0x8840  }
0x5: {  	s24 =	simm.s32 $0x460;
	s28 =	simm.s32 $0x9C40;
	s29 =	simm.s32 $0x500  }
0x6: {  	s30 =	simm.s32 $0xA640;
	s31 =	simm.s32 $0x550;
	s9 =	simm.s32 $0x5F0  }
0x7: {  	s11 =	simm.s32 $0xC440;
	s18 =	simm.s32 $0x0;
	s1 =	sand.u32 $0x1, s1  }
0x8: {  	s4 =	sshll.u32 s3, $0x1;
	s3 =	simm.s32 $0x0;
	s5 =	sadd.s32 $0xC00, s0  }
0x9: {  	s6 =	sadd.s32 $0xF43000, s0;
	s0 =	sadd.s32 $0x19C00, s0;
	s4 =	sor.u32 s1, s4  }
0xa: {  	[smem:$0x7FF] =	sst s3;
	s1 =	ssub.s32 $0x2, s1;
	s4 =	smul.u32 $0x6400, s4  }
0xb: {  	_ =	strace $0x80000047;
	s8 =	sshrl.u32 s1, $0x1;
	[dreg:$0x4] =	wrdreg s0  }
0xc: {  	s25 =	ssub.s32 s1, s8;
	s1 =	simm.s32 $0xB040;
	s8 =	simm.s32 $0xBA40  }
0xd: {  	s7 =	sshrl.u32 s4, $0x3;
	s10 =	sor.u32 $0x320, s4;
	s0 =	smax.u32 s25, $0x1  }
0xe: {  	s25 =	simm.s32 $0x9240;
	s7 =	sadd.s32 s5, s7;
	[dreg:$0x6] =	wrdreg s0  }
0xf: {  	s0 =	simm.s32 $0x5A0;
	[dreg:$0x3] =	wrdreg s7;
	s26 =	sadd.s32 $0x64, s7  }
0x10: {  	s7 =	simm.s32 $0x1;
	[dreg:$0x5] =	wrdreg s26;
	s26 =	simm.s32 $0x4B0  }
.LBB2_1:
0x11: {  	[dreg:$0x7] =	wrdreg s18  }
0x12: {  	s13 =	rddreg [dreg:$0x4];
	s15 =	simm.s32 $0xCE40;
	s19 =	simm.s32 $0x7  }
0x13: {  	[tilespmem:s15], [sflag:$0x7] =	stream.linear.gather [hbm4b:s13+s3], $0x1900, $0x38;
	[tilespmem:$0xE740] =	vst v63  }
0x14: {  	_ =	swait.ge [sflag:s19], $0x1900  }
0x15: {  	[sflag:s19] =	ssyncset.done $0x0  }
0x16: {  	s20 =	rddreg [dreg:$0x3];
	[sflag:s19] =	ssyncadd.s32 $0xFFFFE700  }
0x17: {  	[tilespmem:s3], [sflag:$0x7] =	stream.linear.gather [hbm4b:s20+s3], $0x320, $0x38;
	[tilespmem:$0xE740] =	vst v63  }
0x18: {  	_ =	swait.ge [sflag:s19], $0x320  }
0x19: {  	[sflag:s19] =	ssyncset.done $0x0  }
0x1a: {  	s21 =	simm.s32 $0x640;
	[sflag:s19] =	ssyncadd.s32 $0xFFFFFCE0  }
0x1b: {  	[tilespmem:s21], [sflag:$0x1] =	stream.indirect.gather [hbm4b:s6+s14], $0x20, s3, s14, $0xb8;
	[tilespmem:$0xE740] =	vst v63  }
0x1c: {  	s15 =	simm.s32 $0x1040  }
0x1d: {  	[tilespmem:s15], [sflag:$0x1] =	stream.indirect.gather [hbm4b:s6+s14], $0x20, s14, s14, $0xb8;
	[tilespmem:$0xE740] =	vst v63  }
0x1e: {  	s18 =	simm.s32 $0xA0;
	s19 =	simm.s32 $0x1A40  }
0x1f: {  	[tilespmem:s19], [sflag:$0x1] =	stream.indirect.gather [hbm4b:s6+s14], $0x20, s18, s14, $0xb8;
	[tilespmem:$0xE740] =	vst v63  }
0x20: {  	s20 =	simm.s32 $0xF0;
	s21 =	simm.s32 $0x2440  }
0x21: {  	[tilespmem:s21], [sflag:$0x1] =	stream.indirect.gather [hbm4b:s6+s14], $0x20, s20, s14, $0xb8;
	[tilespmem:$0xE740] =	vst v63  }
0x22: {  	s18 =	simm.s32 $0x140;
	s19 =	simm.s32 $0x2E40  }
0x23: {  	[tilespmem:s19], [sflag:$0x1] =	stream.indirect.gather [hbm4b:s6+s14], $0x20, s18, s14, $0xb8;
	[tilespmem:$0xE740] =	vst v63  }
0x24: {  	s20 =	simm.s32 $0x190;
	s21 =	simm.s32 $0x3840  }
0x25: {  	[tilespmem:s21], [sflag:$0x1] =	stream.indirect.gather [hbm4b:s6+s14], $0x20, s20, s14, $0xb8;
	[tilespmem:$0xE740] =	vst v63  }
0x26: {  	s18 =	simm.s32 $0x1E0;
	s19 =	simm.s32 $0x4240  }
0x27: {  	[tilespmem:s19], [sflag:$0x1] =	stream.indirect.gather [hbm4b:s6+s14], $0x20, s18, s14, $0xb8;
	[tilespmem:$0xE740] =	vst v63  }
0x28: {  	s20 =	simm.s32 $0x230;
	s21 =	simm.s32 $0x4C40  }
0x29: {  	[tilespmem:s21], [sflag:$0x1] =	stream.indirect.gather [hbm4b:s6+s14], $0x20, s20, s14, $0xb8;
	[tilespmem:$0xE740] =	vst v63  }
0x2a: {  	s15 =	simm.s32 $0x280;
	s18 =	simm.s32 $0x5640  }
0x2b: {  	[tilespmem:s18], [sflag:$0x1] =	stream.indirect.gather [hbm4b:s6+s14], $0x20, s15, s14, $0xb8;
	[tilespmem:$0xE740] =	vst v63  }
0x2c: {  	s19 =	simm.s32 $0x2D0;
	s20 =	simm.s32 $0x6040  }
0x2d: {  	[tilespmem:s20], [sflag:$0x1] =	stream.indirect.gather [hbm4b:s6+s14], $0x20, s19, s14, $0xb8;
	[tilespmem:$0xE740] =	vst v63  }
0x2e: {  	s13 =	simm.s32 $0x0;
	s21 =	rddreg [dreg:$0x5]  }
0x2f: {  	[tilespmem:s12], [sflag:$0x4] =	stream.linear.gather [hbm4b:s21+s3], $0x320, $0x38;
	[tilespmem:$0xE740] =	vst v63  }
.LBB2_2:
0x30: {  	p0 =	seq.s32 s13, $0x0  }
0x31: {  	s15 =	simm.s32 @!p0 $0x6  }
0x32: {  	_ =	swait.ge @!p0 [sflag:s15], $0x6400  }
0x33: {  	[sflag:s15] =	ssyncset.done @!p0 $0x0  }
0x34: {  	[sflag:s15] =	ssyncadd.s32 @!p0 $0xFFFF9C00  }
0x35: {  	_ =	swait.ge [sflag:s16], $0x320  }
0x36: {  	[sflag:s16] =	ssyncset.done $0x0  }
0x37: {  	[sflag:s16] =	ssyncadd.s32 $0xFFFFFCE0  }
0x38: {  	[tilespmem:s17], [sflag:$0x2] =	stream.indirect.gather [hbm4b:s6+s14], $0x20, s12, s14, $0xb8;
	[tilespmem:$0xE740] =	vst v63  }
0x39: {  	s19 =	simm.s32 $0x370;
	s18 =	simm.s32 $0x7440  }
0x3a: {  	[tilespmem:s18], [sflag:$0x2] =	stream.indirect.gather [hbm4b:s6+s14], $0x20, s19, s14, $0xb8;
	[tilespmem:$0xE740] =	vst v63  }
0x3b: {  	s20 =	simm.s32 $0x3C0;
	s21 =	simm.s32 $0x7E40  }
0x3c: {  	[tilespmem:s21], [sflag:$0x2] =	stream.indirect.gather [hbm4b:s6+s14], $0x20, s20, s14, $0xb8;
	[tilespmem:$0xE740] =	vst v63  }
0x3d: {  	_ = 	snop  }
0x3e: {  	[tilespmem:s23], [sflag:$0x2] =	stream.indirect.gather [hbm4b:s6+s14], $0x20, s22, s14, $0xb8;
	[tilespmem:$0xE740] =	vst v63  }
0x3f: {  	_ = 	snop  }
0x40: {  	[tilespmem:s25], [sflag:$0x2] =	stream.indirect.gather [hbm4b:s6+s14], $0x20, s24, s14, $0xb8;
	[tilespmem:$0xE740] =	vst v63  }
0x41: {  	_ = 	snop  }
0x42: {  	[tilespmem:s28], [sflag:$0x2] =	stream.indirect.gather [hbm4b:s6+s14], $0x20, s26, s14, $0xb8;
	[tilespmem:$0xE740] =	vst v63  }
0x43: {  	_ = 	snop  }
0x44: {  	[tilespmem:s30], [sflag:$0x2] =	stream.indirect.gather [hbm4b:s6+s14], $0x20, s29, s14, $0xb8;
	[tilespmem:$0xE740] =	vst v63  }
0x45: {  	_ = 	snop  }
0x46: {  	[tilespmem:s1], [sflag:$0x2] =	stream.indirect.gather [hbm4b:s6+s14], $0x20, s31, s14, $0xb8;
	[tilespmem:$0xE740] =	vst v63  }
0x47: {  	s15 =	smul.u32 $0x640, s13  }
0x48: {  	[tilespmem:s8], [sflag:$0x2] =	stream.indirect.gather [hbm4b:s6+s14], $0x20, s0, s14, $0xb8;
	[tilespmem:$0xE740] =	vst v63  }
0x49: {  	p0 =	seq.s32 s13, $0xF;
	s18 =	sadd.s32 s4, s15  }
0x4a: {  	[tilespmem:s11], [sflag:$0x2] =	stream.indirect.gather [hbm4b:s6+s14], $0x20, s9, s14, $0xb8;
	[tilespmem:$0xE740] =	vst v63  }
0x4b: {  	s19 =	sshrl.u32 @!p0 s18, $0x3;
	_ =	swait.ge [sflag:s7], $0x6400  }
0x4c: {  	s19 =	sadd.s32 @!p0 s5, s19;
	[sflag:s7] =	ssyncset.done $0x0  }
0x4d: {  	s20 =	simm.s32 @!p0 $0x0;
	s19 =	sadd.s32 @!p0 $0xC8, s19;
	[sflag:s7] =	ssyncadd.s32 $0xFFFF9C00  }
0x4e: {  	[tilespmem:s20], [sflag:$0x3] =	stream.linear.gather @!p0 [hbm4b:s19+s20], $0x320, $0x38;
	[tilespmem:$0xE740] =	vst v63  }
0x4f: {  	s19 =	simm.s32 $0x0;
	s20 =	simm.s32 $0x400  }
.LBB2_3:
0x50: {  	p0 =	sne.s32 s20, $0x6000;
	v0 =	vld [tilespmem:s19+$0xCF30]  }
0x51: {  	v1 =	vld [tilespmem:s19+$0xCE40]  }
0x52: {  	v2 =	vld [tilespmem:s19+$0xCE50]  }
0x53: {  	v3 =	vld [tilespmem:s19+$0xCE60]  }
0x54: {  	v4 =	vld [tilespmem:s19+$0xCE70]  }
0x55: {  	[tilespmem:s19+$0x5230] =	vst.add.f32.msk $0xffff, v0  }
0x56: {  	v5 =	vld [tilespmem:s19+$0xCE80]  }
0x57: {  	v6 =	vld [tilespmem:s19+$0xCE90]  }
0x58: {  	v7 =	vld [tilespmem:s19+$0xCEA0]  }
0x59: {  	v8 =	vld [tilespmem:s19+$0xCEB0]  }
0x5a: {  	v9 =	vld [tilespmem:s19+$0xCEC0]  }
0x5b: {  	v10 =	vld [tilespmem:s19+$0xCED0]  }
0x5c: {  	v11 =	vld [tilespmem:s19+$0xCEE0]  }
0x5d: {  	v12 =	vld [tilespmem:s19+$0xCEF0]  }
0x5e: {  	v13 =	vld [tilespmem:s19+$0xCF00]  }
0x5f: {  	v14 =	vld [tilespmem:s19+$0xCF10]  }
0x60: {  	v15 =	vld [tilespmem:s19+$0xCF20]  }
0x61: {  	[tilespmem:s19+$0x640] =	vst.add.f32.msk $0xffff, v1  }
0x62: {  	[tilespmem:s19+$0x650] =	vst.add.f32.msk $0xffff, v2  }
0x63: {  	[tilespmem:s19+$0x1F40] =	vst.add.f32.msk $0xffff, v1  }
0x64: {  	[tilespmem:s19+$0x1F50] =	vst.add.f32.msk $0xffff, v2  }
0x65: {  	[tilespmem:s19+$0x3840] =	vst.add.f32.msk $0xffff, v1  }
0x66: {  	[tilespmem:s19+$0x3850] =	vst.add.f32.msk $0xffff, v2  }
0x67: {  	[tilespmem:s19+$0x5140] =	vst.add.f32.msk $0xffff, v1  }
0x68: {  	[tilespmem:s19+$0x5150] =	vst.add.f32.msk $0xffff, v2  }
0x69: {  	[tilespmem:s19+$0x660] =	vst.add.f32.msk $0xffff, v3  }
0x6a: {  	[tilespmem:s19+$0x670] =	vst.add.f32.msk $0xffff, v4  }
0x6b: {  	[tilespmem:s19+$0x1F60] =	vst.add.f32.msk $0xffff, v3  }
0x6c: {  	[tilespmem:s19+$0x1F70] =	vst.add.f32.msk $0xffff, v4  }
0x6d: {  	[tilespmem:s19+$0x3860] =	vst.add.f32.msk $0xffff, v3  }
0x6e: {  	[tilespmem:s19+$0x3870] =	vst.add.f32.msk $0xffff, v4  }
0x6f: {  	[tilespmem:s19+$0x5160] =	vst.add.f32.msk $0xffff, v3  }
0x70: {  	[tilespmem:s19+$0x5170] =	vst.add.f32.msk $0xffff, v4  }
0x71: {  	[tilespmem:s19+$0x680] =	vst.add.f32.msk $0xffff, v5  }
0x72: {  	[tilespmem:s19+$0x690] =	vst.add.f32.msk $0xffff, v6  }
0x73: {  	[tilespmem:s19+$0x1F80] =	vst.add.f32.msk $0xffff, v5  }
0x74: {  	[tilespmem:s19+$0x1F90] =	vst.add.f32.msk $0xffff, v6  }
0x75: {  	[tilespmem:s19+$0x3880] =	vst.add.f32.msk $0xffff, v5  }
0x76: {  	[tilespmem:s19+$0x3890] =	vst.add.f32.msk $0xffff, v6  }
0x77: {  	[tilespmem:s19+$0x5180] =	vst.add.f32.msk $0xffff, v5  }
0x78: {  	[tilespmem:s19+$0x5190] =	vst.add.f32.msk $0xffff, v6  }
0x79: {  	[tilespmem:s19+$0x6A0] =	vst.add.f32.msk $0xffff, v7  }
0x7a: {  	[tilespmem:s19+$0x6B0] =	vst.add.f32.msk $0xffff, v8  }
0x7b: {  	[tilespmem:s19+$0x1FA0] =	vst.add.f32.msk $0xffff, v7  }
0x7c: {  	[tilespmem:s19+$0x1FB0] =	vst.add.f32.msk $0xffff, v8  }
0x7d: {  	[tilespmem:s19+$0x38A0] =	vst.add.f32.msk $0xffff, v7  }
0x7e: {  	[tilespmem:s19+$0x38B0] =	vst.add.f32.msk $0xffff, v8  }
0x7f: {  	[tilespmem:s19+$0x51A0] =	vst.add.f32.msk $0xffff, v7  }
0x80: {  	[tilespmem:s19+$0x51B0] =	vst.add.f32.msk $0xffff, v8  }
0x81: {  	[tilespmem:s19+$0x6C0] =	vst.add.f32.msk $0xffff, v9  }
0x82: {  	[tilespmem:s19+$0x6D0] =	vst.add.f32.msk $0xffff, v10  }
0x83: {  	[tilespmem:s19+$0x1FC0] =	vst.add.f32.msk $0xffff, v9  }
0x84: {  	[tilespmem:s19+$0x1FD0] =	vst.add.f32.msk $0xffff, v10  }
0x85: {  	[tilespmem:s19+$0x38C0] =	vst.add.f32.msk $0xffff, v9  }
0x86: {  	[tilespmem:s19+$0x38D0] =	vst.add.f32.msk $0xffff, v10  }
0x87: {  	[tilespmem:s19+$0x51C0] =	vst.add.f32.msk $0xffff, v9  }
0x88: {  	[tilespmem:s19+$0x51D0] =	vst.add.f32.msk $0xffff, v10  }
0x89: {  	[tilespmem:s19+$0x6E0] =	vst.add.f32.msk $0xffff, v11  }
0x8a: {  	[tilespmem:s19+$0x6F0] =	vst.add.f32.msk $0xffff, v12  }
0x8b: {  	[tilespmem:s19+$0x1FE0] =	vst.add.f32.msk $0xffff, v11  }
0x8c: {  	[tilespmem:s19+$0x1FF0] =	vst.add.f32.msk $0xffff, v12  }
0x8d: {  	[tilespmem:s19+$0x38E0] =	vst.add.f32.msk $0xffff, v11  }
0x8e: {  	[tilespmem:s19+$0x38F0] =	vst.add.f32.msk $0xffff, v12  }
0x8f: {  	[tilespmem:s19+$0x51E0] =	vst.add.f32.msk $0xffff, v11  }
0x90: {  	[tilespmem:s19+$0x51F0] =	vst.add.f32.msk $0xffff, v12  }
0x91: {  	[tilespmem:s19+$0x700] =	vst.add.f32.msk $0xffff, v13  }
0x92: {  	[tilespmem:s19+$0x710] =	vst.add.f32.msk $0xffff, v14  }
0x93: {  	[tilespmem:s19+$0x2000] =	vst.add.f32.msk $0xffff, v13  }
0x94: {  	[tilespmem:s19+$0x2010] =	vst.add.f32.msk $0xffff, v14  }
0x95: {  	[tilespmem:s19+$0x3900] =	vst.add.f32.msk $0xffff, v13  }
0x96: {  	[tilespmem:s19+$0x3910] =	vst.add.f32.msk $0xffff, v14  }
0x97: {  	[tilespmem:s19+$0x5200] =	vst.add.f32.msk $0xffff, v13  }
0x98: {  	[tilespmem:s19+$0x5210] =	vst.add.f32.msk $0xffff, v14  }
0x99: {  	[tilespmem:s19+$0x720] =	vst.add.f32.msk $0xffff, v15  }
0x9a: {  	[tilespmem:s19+$0x730] =	vst.add.f32.msk $0xffff, v0  }
.Ltmp0:
0x9b: {  	[tilespmem:s19+$0x2020] =	vst.add.f32.msk $0xffff, v15;
	(pc) =	sbr.rel @p0 .LBB2_3-.Ltmp0, $4  }
0x9c: {  	[tilespmem:s19+$0x2030] =	vst.add.f32.msk $0xffff, v0  }
0x9d: {  	[tilespmem:s19+$0x3920] =	vst.add.f32.msk $0xffff, v15  }
0x9e: {  	[tilespmem:s19+$0x3930] =	vst.add.f32.msk $0xffff, v0  }
0x9f: {  	[tilespmem:s19+$0x5220] =	vst.add.f32.msk $0xffff, v15;
	s19 =	sshra.s32 s20, $0x2;
	s20 =	sadd.s32 $0x400, s20  }
0xa0: {  	v0 =	vld [tilespmem:s19+$0xCF30]  }
0xa1: {  	v1 =	vld [tilespmem:s19+$0xCE40]  }
0xa2: {  	v2 =	vld [tilespmem:s19+$0xCE50]  }
0xa3: {  	v3 =	vld [tilespmem:s19+$0xCE60]  }
0xa4: {  	v4 =	vld [tilespmem:s19+$0xCE70]  }
0xa5: {  	v5 =	vld [tilespmem:s19+$0xCE80]  }
0xa6: {  	v6 =	vld [tilespmem:s19+$0xCE90]  }
0xa7: {  	v7 =	vld [tilespmem:s19+$0xCEA0]  }
0xa8: {  	v8 =	vld [tilespmem:s19+$0xCEB0]  }
0xa9: {  	v9 =	vld [tilespmem:s19+$0xCEC0]  }
0xaa: {  	v10 =	vld [tilespmem:s19+$0xCED0]  }
0xab: {  	v11 =	vld [tilespmem:s19+$0xCEE0]  }
0xac: {  	v12 =	vld [tilespmem:s19+$0xCEF0]  }
0xad: {  	v13 =	vld [tilespmem:s19+$0xCF00]  }
0xae: {  	v14 =	vld [tilespmem:s19+$0xCF10]  }
0xaf: {  	v15 =	vld [tilespmem:s19+$0xCF20]  }
0xb0: {  	[tilespmem:s19+$0x5230] =	vst.add.f32.msk $0xffff, v0  }
0xb1: {  	[tilespmem:s19+$0x640] =	vst.add.f32.msk $0xffff, v1  }
0xb2: {  	[tilespmem:s19+$0x650] =	vst.add.f32.msk $0xffff, v2  }
0xb3: {  	[tilespmem:s19+$0x1F40] =	vst.add.f32.msk $0xffff, v1  }
0xb4: {  	[tilespmem:s19+$0x1F50] =	vst.add.f32.msk $0xffff, v2  }
0xb5: {  	[tilespmem:s19+$0x3840] =	vst.add.f32.msk $0xffff, v1  }
0xb6: {  	[tilespmem:s19+$0x3850] =	vst.add.f32.msk $0xffff, v2  }
0xb7: {  	[tilespmem:s19+$0x5140] =	vst.add.f32.msk $0xffff, v1  }
0xb8: {  	[tilespmem:s19+$0x5150] =	vst.add.f32.msk $0xffff, v2  }
0xb9: {  	[tilespmem:s19+$0x660] =	vst.add.f32.msk $0xffff, v3  }
0xba: {  	[tilespmem:s19+$0x670] =	vst.add.f32.msk $0xffff, v4  }
0xbb: {  	[tilespmem:s19+$0x1F60] =	vst.add.f32.msk $0xffff, v3  }
0xbc: {  	[tilespmem:s19+$0x1F70] =	vst.add.f32.msk $0xffff, v4  }
0xbd: {  	[tilespmem:s19+$0x3860] =	vst.add.f32.msk $0xffff, v3  }
0xbe: {  	[tilespmem:s19+$0x3870] =	vst.add.f32.msk $0xffff, v4  }
0xbf: {  	[tilespmem:s19+$0x5160] =	vst.add.f32.msk $0xffff, v3  }
0xc0: {  	[tilespmem:s19+$0x5170] =	vst.add.f32.msk $0xffff, v4  }
0xc1: {  	[tilespmem:s19+$0x680] =	vst.add.f32.msk $0xffff, v5  }
0xc2: {  	[tilespmem:s19+$0x690] =	vst.add.f32.msk $0xffff, v6  }
0xc3: {  	[tilespmem:s19+$0x1F80] =	vst.add.f32.msk $0xffff, v5  }
0xc4: {  	[tilespmem:s19+$0x1F90] =	vst.add.f32.msk $0xffff, v6  }
0xc5: {  	[tilespmem:s19+$0x3880] =	vst.add.f32.msk $0xffff, v5  }
0xc6: {  	[tilespmem:s19+$0x3890] =	vst.add.f32.msk $0xffff, v6  }
0xc7: {  	[tilespmem:s19+$0x5180] =	vst.add.f32.msk $0xffff, v5  }
0xc8: {  	[tilespmem:s19+$0x5190] =	vst.add.f32.msk $0xffff, v6  }
0xc9: {  	[tilespmem:s19+$0x6A0] =	vst.add.f32.msk $0xffff, v7  }
0xca: {  	[tilespmem:s19+$0x6B0] =	vst.add.f32.msk $0xffff, v8  }
0xcb: {  	[tilespmem:s19+$0x1FA0] =	vst.add.f32.msk $0xffff, v7  }
0xcc: {  	[tilespmem:s19+$0x1FB0] =	vst.add.f32.msk $0xffff, v8  }
0xcd: {  	[tilespmem:s19+$0x38A0] =	vst.add.f32.msk $0xffff, v7  }
0xce: {  	[tilespmem:s19+$0x38B0] =	vst.add.f32.msk $0xffff, v8  }
0xcf: {  	[tilespmem:s19+$0x51A0] =	vst.add.f32.msk $0xffff, v7  }
0xd0: {  	[tilespmem:s19+$0x51B0] =	vst.add.f32.msk $0xffff, v8  }
0xd1: {  	[tilespmem:s19+$0x6C0] =	vst.add.f32.msk $0xffff, v9  }
0xd2: {  	[tilespmem:s19+$0x6D0] =	vst.add.f32.msk $0xffff, v10  }
0xd3: {  	[tilespmem:s19+$0x1FC0] =	vst.add.f32.msk $0xffff, v9  }
0xd4: {  	[tilespmem:s19+$0x1FD0] =	vst.add.f32.msk $0xffff, v10  }
0xd5: {  	[tilespmem:s19+$0x38C0] =	vst.add.f32.msk $0xffff, v9  }
0xd6: {  	[tilespmem:s19+$0x38D0] =	vst.add.f32.msk $0xffff, v10  }
0xd7: {  	[tilespmem:s19+$0x51C0] =	vst.add.f32.msk $0xffff, v9  }
0xd8: {  	[tilespmem:s19+$0x51D0] =	vst.add.f32.msk $0xffff, v10  }
0xd9: {  	[tilespmem:s19+$0x6E0] =	vst.add.f32.msk $0xffff, v11  }
0xda: {  	[tilespmem:s19+$0x6F0] =	vst.add.f32.msk $0xffff, v12  }
0xdb: {  	[tilespmem:s19+$0x1FE0] =	vst.add.f32.msk $0xffff, v11  }
0xdc: {  	[tilespmem:s19+$0x1FF0] =	vst.add.f32.msk $0xffff, v12  }
0xdd: {  	[tilespmem:s19+$0x38E0] =	vst.add.f32.msk $0xffff, v11  }
0xde: {  	[tilespmem:s19+$0x38F0] =	vst.add.f32.msk $0xffff, v12  }
0xdf: {  	[tilespmem:s19+$0x51E0] =	vst.add.f32.msk $0xffff, v11  }
0xe0: {  	[tilespmem:s19+$0x51F0] =	vst.add.f32.msk $0xffff, v12  }
0xe1: {  	[tilespmem:s19+$0x700] =	vst.add.f32.msk $0xffff, v13  }
0xe2: {  	[tilespmem:s19+$0x710] =	vst.add.f32.msk $0xffff, v14  }
0xe3: {  	[tilespmem:s19+$0x2000] =	vst.add.f32.msk $0xffff, v13  }
0xe4: {  	[tilespmem:s19+$0x2010] =	vst.add.f32.msk $0xffff, v14  }
0xe5: {  	[tilespmem:s19+$0x3900] =	vst.add.f32.msk $0xffff, v13  }
0xe6: {  	[tilespmem:s19+$0x3910] =	vst.add.f32.msk $0xffff, v14  }
0xe7: {  	[tilespmem:s19+$0x5200] =	vst.add.f32.msk $0xffff, v13  }
0xe8: {  	[tilespmem:s19+$0x5210] =	vst.add.f32.msk $0xffff, v14  }
0xe9: {  	[tilespmem:s19+$0x720] =	vst.add.f32.msk $0xffff, v15  }
0xea: {  	[tilespmem:s19+$0x730] =	vst.add.f32.msk $0xffff, v0  }
0xeb: {  	[tilespmem:s19+$0x2020] =	vst.add.f32.msk $0xffff, v15  }
0xec: {  	[tilespmem:s19+$0x2030] =	vst.add.f32.msk $0xffff, v0  }
0xed: {  	[tilespmem:s19+$0x3920] =	vst.add.f32.msk $0xffff, v15  }
0xee: {  	s18 =	sshll.u32 s18, $0x2;
	[tilespmem:s19+$0x3930] =	vst.add.f32.msk $0xffff, v0  }
0xef: {  	p0 =	sne.s32 s13, $0xF;
	s21 =	simm.s32 $0x640;
	s18 =	sadd.s32 s2, s18;
	[tilespmem:s19+$0x5220] =	vst.add.f32.msk $0xffff, v15  }
0xf0: {  	[hbm4b:s18+s3] =	stream.linear.scatter [tilespmem:s21], [sflag:$0x5], $0x6400, $0x38;
	[tilespmem:$0xE740] =	vst v63  }
0xf1: {  	s18 =	simm.s32 @p0 $0x5  }
0xf2: {  	_ =	swait.ge @p0 [sflag:s18], $0x6400  }
0xf3: {  	[sflag:s18] =	ssyncset.done @p0 $0x0  }
0xf4: {  	[sflag:s18] =	ssyncadd.s32 @p0 $0xFFFF9C00;
	s18 =	simm.s32 @p0 $0x3  }
0xf5: {  	_ =	swait.ge @p0 [sflag:s18], $0x320  }
0xf6: {  	s20 =	simm.s32 @p0 $0x640;
	[sflag:s18] =	ssyncset.done @p0 $0x0  }
0xf7: {  	s19 =	simm.s32 @p0 $0x0;
	[sflag:s18] =	ssyncadd.s32 @p0 $0xFFFFFCE0;
	s18 =	simm.s32 @p0 $0x50  }
0xf8: {  	[tilespmem:s20], [sflag:$0x1] =	stream.indirect.gather @p0 [hbm4b:s6+s18], $0x20, s19, s18, $0xb8;
	[tilespmem:$0xE740] =	vst v63  }
0xf9: {  	s20 =	simm.s32 @p0 $0x1040  }
0xfa: {  	[tilespmem:s20], [sflag:$0x1] =	stream.indirect.gather @p0 [hbm4b:s6+s18], $0x20, s18, s18, $0xb8;
	[tilespmem:$0xE740] =	vst v63  }
0xfb: {  	s21 =	simm.s32 @p0 $0x1A40;
	s20 =	simm.s32 @p0 $0xA0  }
0xfc: {  	[tilespmem:s21], [sflag:$0x1] =	stream.indirect.gather @p0 [hbm4b:s6+s18], $0x20, s20, s18, $0xb8;
	[tilespmem:$0xE740] =	vst v63  }
0xfd: {  	s20 =	simm.s32 @p0 $0xF0;
	s21 =	simm.s32 @p0 $0x2440  }
0xfe: {  	[tilespmem:s21], [sflag:$0x1] =	stream.indirect.gather @p0 [hbm4b:s6+s18], $0x20, s20, s18, $0xb8;
	[tilespmem:$0xE740] =	vst v63  }
0xff: {  	s20 =	simm.s32 @p0 $0x140;
	s21 =	simm.s32 @p0 $0x2E40  }
0x100: {  	[tilespmem:s21], [sflag:$0x1] =	stream.indirect.gather @p0 [hbm4b:s6+s18], $0x20, s20, s18, $0xb8;
	[tilespmem:$0xE740] =	vst v63  }
0x101: {  	s20 =	simm.s32 @p0 $0x190;
	s21 =	simm.s32 @p0 $0x3840  }
0x102: {  	[tilespmem:s21], [sflag:$0x1] =	stream.indirect.gather @p0 [hbm4b:s6+s18], $0x20, s20, s18, $0xb8;
	[tilespmem:$0xE740] =	vst v63  }
0x103: {  	s20 =	simm.s32 @p0 $0x1E0;
	s21 =	simm.s32 @p0 $0x4240  }
0x104: {  	[tilespmem:s21], [sflag:$0x1] =	stream.indirect.gather @p0 [hbm4b:s6+s18], $0x20, s20, s18, $0xb8;
	[tilespmem:$0xE740] =	vst v63  }
0x105: {  	s20 =	simm.s32 @p0 $0x230;
	s21 =	simm.s32 @p0 $0x4C40  }
0x106: {  	[tilespmem:s21], [sflag:$0x1] =	stream.indirect.gather @p0 [hbm4b:s6+s18], $0x20, s20, s18, $0xb8;
	[tilespmem:$0xE740] =	vst v63  }
0x107: {  	s20 =	simm.s32 @p0 $0x280;
	s21 =	simm.s32 @p0 $0x5640  }
0x108: {  	[tilespmem:s21], [sflag:$0x1] =	stream.indirect.gather @p0 [hbm4b:s6+s18], $0x20, s20, s18, $0xb8;
	[tilespmem:$0xE740] =	vst v63  }
0x109: {  	s20 =	simm.s32 @p0 $0x2D0;
	s21 =	simm.s32 @p0 $0x6040  }
0x10a: {  	[tilespmem:s21], [sflag:$0x1] =	stream.indirect.gather @p0 [hbm4b:s6+s18], $0x20, s20, s18, $0xb8;
	[tilespmem:$0xE740] =	vst v63  }
0x10b: {  	s15 =	sadd.s32 s15, s10;
	s18 =	simm.s32 @p0 $0x2  }
0x10c: {  	s20 =	sshrl.u32 @p0 s15, $0x3;
	_ =	swait.ge @p0 [sflag:s18], $0x6400  }
0x10d: {  	s20 =	sadd.s32 @p0 s5, s20;
	[sflag:s18] =	ssyncset.done @p0 $0x0  }
0x10e: {  	[sflag:s18] =	ssyncadd.s32 @p0 $0xFFFF9C00;
	s18 =	sadd.s32 @p0 $0xC8, s20;
	s20 =	simm.s32 @p0 $0x320  }
0x10f: {  	[tilespmem:s20], [sflag:$0x4] =	stream.linear.gather @p0 [hbm4b:s18+s19], $0x320, $0x38;
	[tilespmem:$0xE740] =	vst v63  }
0x110: {  	s18 =	simm.s32 @!p0 $0x2  }
0x111: {  	_ =	swait.ge @!p0 [sflag:s18], $0x6400  }
0x112: {  	[sflag:s18] =	ssyncset.done @!p0 $0x0  }
0x113: {  	s19 =	simm.s32 $0x400;
	[sflag:s18] =	ssyncadd.s32 @!p0 $0xFFFF9C00;
	s18 =	simm.s32 $0x0  }
.LBB2_5:
0x114: {  	p0 =	sne.s32 s19, $0x6000;
	v0 =	vld [tilespmem:s18+$0xCF30]  }
0x115: {  	v1 =	vld [tilespmem:s18+$0xCE40]  }
0x116: {  	v2 =	vld [tilespmem:s18+$0xCE50]  }
0x117: {  	v3 =	vld [tilespmem:s18+$0xCE60]  }
0x118: {  	v4 =	vld [tilespmem:s18+$0xCE70]  }
0x119: {  	[tilespmem:s18+$0xB630] =	vst.add.f32.msk $0xffff, v0  }
0x11a: {  	v5 =	vld [tilespmem:s18+$0xCE80]  }
0x11b: {  	v6 =	vld [tilespmem:s18+$0xCE90]  }
0x11c: {  	v7 =	vld [tilespmem:s18+$0xCEA0]  }
0x11d: {  	v8 =	vld [tilespmem:s18+$0xCEB0]  }
0x11e: {  	v9 =	vld [tilespmem:s18+$0xCEC0]  }
0x11f: {  	v10 =	vld [tilespmem:s18+$0xCED0]  }
0x120: {  	v11 =	vld [tilespmem:s18+$0xCEE0]  }
0x121: {  	v12 =	vld [tilespmem:s18+$0xCEF0]  }
0x122: {  	v13 =	vld [tilespmem:s18+$0xCF00]  }
0x123: {  	v14 =	vld [tilespmem:s18+$0xCF10]  }
0x124: {  	v15 =	vld [tilespmem:s18+$0xCF20]  }
0x125: {  	[tilespmem:s18+$0x6A40] =	vst.add.f32.msk $0xffff, v1  }
0x126: {  	[tilespmem:s18+$0x6A50] =	vst.add.f32.msk $0xffff, v2  }
0x127: {  	[tilespmem:s18+$0x8340] =	vst.add.f32.msk $0xffff, v1  }
0x128: {  	[tilespmem:s18+$0x8350] =	vst.add.f32.msk $0xffff, v2  }
0x129: {  	[tilespmem:s18+$0x9C40] =	vst.add.f32.msk $0xffff, v1  }
0x12a: {  	[tilespmem:s18+$0x9C50] =	vst.add.f32.msk $0xffff, v2  }
0x12b: {  	[tilespmem:s18+$0xB540] =	vst.add.f32.msk $0xffff, v1  }
0x12c: {  	[tilespmem:s18+$0xB550] =	vst.add.f32.msk $0xffff, v2  }
0x12d: {  	[tilespmem:s18+$0x6A60] =	vst.add.f32.msk $0xffff, v3  }
0x12e: {  	[tilespmem:s18+$0x6A70] =	vst.add.f32.msk $0xffff, v4  }
0x12f: {  	[tilespmem:s18+$0x8360] =	vst.add.f32.msk $0xffff, v3  }
0x130: {  	[tilespmem:s18+$0x8370] =	vst.add.f32.msk $0xffff, v4  }
0x131: {  	[tilespmem:s18+$0x9C60] =	vst.add.f32.msk $0xffff, v3  }
0x132: {  	[tilespmem:s18+$0x9C70] =	vst.add.f32.msk $0xffff, v4  }
0x133: {  	[tilespmem:s18+$0xB560] =	vst.add.f32.msk $0xffff, v3  }
0x134: {  	[tilespmem:s18+$0xB570] =	vst.add.f32.msk $0xffff, v4  }
0x135: {  	[tilespmem:s18+$0x6A80] =	vst.add.f32.msk $0xffff, v5  }
0x136: {  	[tilespmem:s18+$0x6A90] =	vst.add.f32.msk $0xffff, v6  }
0x137: {  	[tilespmem:s18+$0x8380] =	vst.add.f32.msk $0xffff, v5  }
0x138: {  	[tilespmem:s18+$0x8390] =	vst.add.f32.msk $0xffff, v6  }
0x139: {  	[tilespmem:s18+$0x9C80] =	vst.add.f32.msk $0xffff, v5  }
0x13a: {  	[tilespmem:s18+$0x9C90] =	vst.add.f32.msk $0xffff, v6  }
0x13b: {  	[tilespmem:s18+$0xB580] =	vst.add.f32.msk $0xffff, v5  }
0x13c: {  	[tilespmem:s18+$0xB590] =	vst.add.f32.msk $0xffff, v6  }
0x13d: {  	[tilespmem:s18+$0x6AA0] =	vst.add.f32.msk $0xffff, v7  }
0x13e: {  	[tilespmem:s18+$0x6AB0] =	vst.add.f32.msk $0xffff, v8  }
0x13f: {  	[tilespmem:s18+$0x83A0] =	vst.add.f32.msk $0xffff, v7  }
0x140: {  	[tilespmem:s18+$0x83B0] =	vst.add.f32.msk $0xffff, v8  }
0x141: {  	[tilespmem:s18+$0x9CA0] =	vst.add.f32.msk $0xffff, v7  }
0x142: {  	[tilespmem:s18+$0x9CB0] =	vst.add.f32.msk $0xffff, v8  }
0x143: {  	[tilespmem:s18+$0xB5A0] =	vst.add.f32.msk $0xffff, v7  }
0x144: {  	[tilespmem:s18+$0xB5B0] =	vst.add.f32.msk $0xffff, v8  }
0x145: {  	[tilespmem:s18+$0x6AC0] =	vst.add.f32.msk $0xffff, v9  }
0x146: {  	[tilespmem:s18+$0x6AD0] =	vst.add.f32.msk $0xffff, v10  }
0x147: {  	[tilespmem:s18+$0x83C0] =	vst.add.f32.msk $0xffff, v9  }
0x148: {  	[tilespmem:s18+$0x83D0] =	vst.add.f32.msk $0xffff, v10  }
0x149: {  	[tilespmem:s18+$0x9CC0] =	vst.add.f32.msk $0xffff, v9  }
0x14a: {  	[tilespmem:s18+$0x9CD0] =	vst.add.f32.msk $0xffff, v10  }
0x14b: {  	[tilespmem:s18+$0xB5C0] =	vst.add.f32.msk $0xffff, v9  }
0x14c: {  	[tilespmem:s18+$0xB5D0] =	vst.add.f32.msk $0xffff, v10  }
0x14d: {  	[tilespmem:s18+$0x6AE0] =	vst.add.f32.msk $0xffff, v11  }
0x14e: {  	[tilespmem:s18+$0x6AF0] =	vst.add.f32.msk $0xffff, v12  }
0x14f: {  	[tilespmem:s18+$0x83E0] =	vst.add.f32.msk $0xffff, v11  }
0x150: {  	[tilespmem:s18+$0x83F0] =	vst.add.f32.msk $0xffff, v12  }
0x151: {  	[tilespmem:s18+$0x9CE0] =	vst.add.f32.msk $0xffff, v11  }
0x152: {  	[tilespmem:s18+$0x9CF0] =	vst.add.f32.msk $0xffff, v12  }
0x153: {  	[tilespmem:s18+$0xB5E0] =	vst.add.f32.msk $0xffff, v11  }
0x154: {  	[tilespmem:s18+$0xB5F0] =	vst.add.f32.msk $0xffff, v12  }
0x155: {  	[tilespmem:s18+$0x6B00] =	vst.add.f32.msk $0xffff, v13  }
0x156: {  	[tilespmem:s18+$0x6B10] =	vst.add.f32.msk $0xffff, v14  }
0x157: {  	[tilespmem:s18+$0x8400] =	vst.add.f32.msk $0xffff, v13  }
0x158: {  	[tilespmem:s18+$0x8410] =	vst.add.f32.msk $0xffff, v14  }
0x159: {  	[tilespmem:s18+$0x9D00] =	vst.add.f32.msk $0xffff, v13  }
0x15a: {  	[tilespmem:s18+$0x9D10] =	vst.add.f32.msk $0xffff, v14  }
0x15b: {  	[tilespmem:s18+$0xB600] =	vst.add.f32.msk $0xffff, v13  }
0x15c: {  	[tilespmem:s18+$0xB610] =	vst.add.f32.msk $0xffff, v14  }
0x15d: {  	[tilespmem:s18+$0x6B20] =	vst.add.f32.msk $0xffff, v15  }
0x15e: {  	[tilespmem:s18+$0x6B30] =	vst.add.f32.msk $0xffff, v0  }
.Ltmp1:
0x15f: {  	[tilespmem:s18+$0x8420] =	vst.add.f32.msk $0xffff, v15;
	(pc) =	sbr.rel @p0 .LBB2_5-.Ltmp1, $4  }
0x160: {  	[tilespmem:s18+$0x8430] =	vst.add.f32.msk $0xffff, v0  }
0x161: {  	[tilespmem:s18+$0x9D20] =	vst.add.f32.msk $0xffff, v15  }
0x162: {  	[tilespmem:s18+$0x9D30] =	vst.add.f32.msk $0xffff, v0  }
0x163: {  	[tilespmem:s18+$0xB620] =	vst.add.f32.msk $0xffff, v15;
	s18 =	sshra.s32 s19, $0x2;
	s19 =	sadd.s32 $0x400, s19  }
0x164: {  	v0 =	vld [tilespmem:s18+$0xCF30]  }
0x165: {  	v1 =	vld [tilespmem:s18+$0xCE40]  }
0x166: {  	v2 =	vld [tilespmem:s18+$0xCE50]  }
0x167: {  	v3 =	vld [tilespmem:s18+$0xCE60]  }
0x168: {  	v4 =	vld [tilespmem:s18+$0xCE70]  }
0x169: {  	v5 =	vld [tilespmem:s18+$0xCE80]  }
0x16a: {  	v6 =	vld [tilespmem:s18+$0xCE90]  }
0x16b: {  	v7 =	vld [tilespmem:s18+$0xCEA0]  }
0x16c: {  	v8 =	vld [tilespmem:s18+$0xCEB0]  }
0x16d: {  	v9 =	vld [tilespmem:s18+$0xCEC0]  }
0x16e: {  	v10 =	vld [tilespmem:s18+$0xCED0]  }
0x16f: {  	v11 =	vld [tilespmem:s18+$0xCEE0]  }
0x170: {  	v12 =	vld [tilespmem:s18+$0xCEF0]  }
0x171: {  	v13 =	vld [tilespmem:s18+$0xCF00]  }
0x172: {  	v14 =	vld [tilespmem:s18+$0xCF10]  }
0x173: {  	v15 =	vld [tilespmem:s18+$0xCF20]  }
0x174: {  	[tilespmem:s18+$0xB630] =	vst.add.f32.msk $0xffff, v0  }
0x175: {  	[tilespmem:s18+$0x6A40] =	vst.add.f32.msk $0xffff, v1  }
0x176: {  	[tilespmem:s18+$0x6A50] =	vst.add.f32.msk $0xffff, v2  }
0x177: {  	[tilespmem:s18+$0x8340] =	vst.add.f32.msk $0xffff, v1  }
0x178: {  	[tilespmem:s18+$0x8350] =	vst.add.f32.msk $0xffff, v2  }
0x179: {  	[tilespmem:s18+$0x9C40] =	vst.add.f32.msk $0xffff, v1  }
0x17a: {  	[tilespmem:s18+$0x9C50] =	vst.add.f32.msk $0xffff, v2  }
0x17b: {  	[tilespmem:s18+$0xB540] =	vst.add.f32.msk $0xffff, v1  }
0x17c: {  	[tilespmem:s18+$0xB550] =	vst.add.f32.msk $0xffff, v2  }
0x17d: {  	[tilespmem:s18+$0x6A60] =	vst.add.f32.msk $0xffff, v3  }
0x17e: {  	[tilespmem:s18+$0x6A70] =	vst.add.f32.msk $0xffff, v4  }
0x17f: {  	[tilespmem:s18+$0x8360] =	vst.add.f32.msk $0xffff, v3  }
0x180: {  	[tilespmem:s18+$0x8370] =	vst.add.f32.msk $0xffff, v4  }
0x181: {  	[tilespmem:s18+$0x9C60] =	vst.add.f32.msk $0xffff, v3  }
0x182: {  	[tilespmem:s18+$0x9C70] =	vst.add.f32.msk $0xffff, v4  }
0x183: {  	[tilespmem:s18+$0xB560] =	vst.add.f32.msk $0xffff, v3  }
0x184: {  	[tilespmem:s18+$0xB570] =	vst.add.f32.msk $0xffff, v4  }
0x185: {  	[tilespmem:s18+$0x6A80] =	vst.add.f32.msk $0xffff, v5  }
0x186: {  	[tilespmem:s18+$0x6A90] =	vst.add.f32.msk $0xffff, v6  }
0x187: {  	[tilespmem:s18+$0x8380] =	vst.add.f32.msk $0xffff, v5  }
0x188: {  	[tilespmem:s18+$0x8390] =	vst.add.f32.msk $0xffff, v6  }
0x189: {  	[tilespmem:s18+$0x9C80] =	vst.add.f32.msk $0xffff, v5  }
0x18a: {  	[tilespmem:s18+$0x9C90] =	vst.add.f32.msk $0xffff, v6  }
0x18b: {  	[tilespmem:s18+$0xB580] =	vst.add.f32.msk $0xffff, v5  }
0x18c: {  	[tilespmem:s18+$0xB590] =	vst.add.f32.msk $0xffff, v6  }
0x18d: {  	[tilespmem:s18+$0x6AA0] =	vst.add.f32.msk $0xffff, v7  }
0x18e: {  	[tilespmem:s18+$0x6AB0] =	vst.add.f32.msk $0xffff, v8  }
0x18f: {  	[tilespmem:s18+$0x83A0] =	vst.add.f32.msk $0xffff, v7  }
0x190: {  	[tilespmem:s18+$0x83B0] =	vst.add.f32.msk $0xffff, v8  }
0x191: {  	[tilespmem:s18+$0x9CA0] =	vst.add.f32.msk $0xffff, v7  }
0x192: {  	[tilespmem:s18+$0x9CB0] =	vst.add.f32.msk $0xffff, v8  }
0x193: {  	[tilespmem:s18+$0xB5A0] =	vst.add.f32.msk $0xffff, v7  }
0x194: {  	[tilespmem:s18+$0xB5B0] =	vst.add.f32.msk $0xffff, v8  }
0x195: {  	[tilespmem:s18+$0x6AC0] =	vst.add.f32.msk $0xffff, v9  }
0x196: {  	[tilespmem:s18+$0x6AD0] =	vst.add.f32.msk $0xffff, v10  }
0x197: {  	[tilespmem:s18+$0x83C0] =	vst.add.f32.msk $0xffff, v9  }
0x198: {  	[tilespmem:s18+$0x83D0] =	vst.add.f32.msk $0xffff, v10  }
0x199: {  	[tilespmem:s18+$0x9CC0] =	vst.add.f32.msk $0xffff, v9  }
0x19a: {  	[tilespmem:s18+$0x9CD0] =	vst.add.f32.msk $0xffff, v10  }
0x19b: {  	[tilespmem:s18+$0xB5C0] =	vst.add.f32.msk $0xffff, v9  }
0x19c: {  	[tilespmem:s18+$0xB5D0] =	vst.add.f32.msk $0xffff, v10  }
0x19d: {  	[tilespmem:s18+$0x6AE0] =	vst.add.f32.msk $0xffff, v11  }
0x19e: {  	[tilespmem:s18+$0x6AF0] =	vst.add.f32.msk $0xffff, v12  }
0x19f: {  	[tilespmem:s18+$0x83E0] =	vst.add.f32.msk $0xffff, v11  }
0x1a0: {  	[tilespmem:s18+$0x83F0] =	vst.add.f32.msk $0xffff, v12  }
0x1a1: {  	[tilespmem:s18+$0x9CE0] =	vst.add.f32.msk $0xffff, v11  }
0x1a2: {  	[tilespmem:s18+$0x9CF0] =	vst.add.f32.msk $0xffff, v12  }
0x1a3: {  	[tilespmem:s18+$0xB5E0] =	vst.add.f32.msk $0xffff, v11  }
0x1a4: {  	[tilespmem:s18+$0xB5F0] =	vst.add.f32.msk $0xffff, v12  }
0x1a5: {  	[tilespmem:s18+$0x6B00] =	vst.add.f32.msk $0xffff, v13  }
0x1a6: {  	[tilespmem:s18+$0x6B10] =	vst.add.f32.msk $0xffff, v14  }
0x1a7: {  	[tilespmem:s18+$0x8400] =	vst.add.f32.msk $0xffff, v13  }
0x1a8: {  	[tilespmem:s18+$0x8410] =	vst.add.f32.msk $0xffff, v14  }
0x1a9: {  	[tilespmem:s18+$0x9D00] =	vst.add.f32.msk $0xffff, v13  }
0x1aa: {  	[tilespmem:s18+$0x9D10] =	vst.add.f32.msk $0xffff, v14  }
0x1ab: {  	[tilespmem:s18+$0xB600] =	vst.add.f32.msk $0xffff, v13  }
0x1ac: {  	[tilespmem:s18+$0xB610] =	vst.add.f32.msk $0xffff, v14  }
0x1ad: {  	[tilespmem:s18+$0x6B20] =	vst.add.f32.msk $0xffff, v15  }
0x1ae: {  	s13 =	sadd.s32 $0x1, s13;
	[tilespmem:s18+$0x6B30] =	vst.add.f32.msk $0xffff, v0  }
0x1af: {  	p0 =	sne.s32 s13, $0x10;
	[tilespmem:s18+$0x8420] =	vst.add.f32.msk $0xffff, v15  }
.Ltmp2:
0x1b0: {  	[tilespmem:s18+$0x8430] =	vst.add.f32.msk $0xffff, v0;
	(pc) =	sbr.rel @p0 .LBB2_2-.Ltmp2, $4  }
0x1b1: {  	s15 =	sshll.u32 s15, $0x2;
	[tilespmem:s18+$0x9D20] =	vst.add.f32.msk $0xffff, v15  }
0x1b2: {  	s15 =	sand.u32 $0x1FFFFF80, s15;
	[tilespmem:s18+$0x9D30] =	vst.add.f32.msk $0xffff, v0  }
0x1b3: {  	s15 =	sadd.s32 s2, s15;
	[tilespmem:s18+$0xB620] =	vst.add.f32.msk $0xffff, v15  }
0x1b4: {  	[hbm4b:s15+s3] =	stream.linear.scatter [tilespmem:s17], [sflag:$0x6], $0x6400, $0x38;
	[tilespmem:$0xE740] =	vst v63  }
0x1b5: {  	s13 =	simm.s32 $0x5  }
0x1b6: {  	_ =	swait.ge [sflag:s13], $0x6400  }
0x1b7: {  	[sflag:s13] =	ssyncset.done $0x0  }
0x1b8: {  	s15 =	simm.s32 $0x6;
	[sflag:s13] =	ssyncadd.s32 $0xFFFF9C00  }
0x1b9: {  	_ =	swait.ge [sflag:s15], $0x6400  }
0x1ba: {  	s18 =	rddreg [dreg:$0x7]  }
0x1bb: {  	s21 =	rddreg [dreg:$0x6];
	s18 =	sadd.s32 $0x1, s18  }
0x1bc: {  	p0 =	sne.s32 s18, s21  }
.Ltmp3:
0x1bd: {  	_ = 	snop;
	(pc) =	sbr.rel @p0 .LBB2_1-.Ltmp3, $3  }
0x1be: {  	_ =	sdelay $0x1  }
0x1bf: {  	[sflag:s15] =	ssyncset.done $0x0  }
0x1c0: {  	[sflag:s15] =	ssyncadd.s32 $0xFFFF9C00  }
0x1c1: {  	_ =	sfence.sel $0x180000  }
0x1c2: {  	[bflag:$0x0] =	sbarrier.arrive $0xFFFF  }
0x1c3: {  	_ =	strace $0x90000047  }
0x1c4: {  	s0 =	stileid.u32;
	[bflag:$0x2] =	sbarrier.arrive $0xFFFF  }
0x1c5: {  	p0 =	sne.s32 s0, $0x0;
	s0 =	rddreg [dreg:$0x2]  }
0x1c6: {  	s0 =	sadd.s32 @!p0 $0x100000, s0  }
0x1c7: {  	[sflag:s0] =	ssyncadd.tile.s32 @!p0 $0x1;
	_ =	shalt  }
.Lfunc_end2:
_tile_overlayer_lowered:
.L_overlay_start_2:
0x1c8: {  	(tag) =	ssettag $0x2  }
0x1c9: {  	s0 =	rddreg [dreg:$0x0];
	s2 =	stileid.u32  }
0x1ca: {  	s1 =	rddreg [dreg:$0x1];
	p0 =	sne.s32 s2, $0x0  }
0x1cb: {  	s3 =	rddreg [dreg:$0x2];
	[bflag:$0x3] =	sbarrier.arrive $0xFFFF;
	s2 =	simm.s32 @!p0 $0x1C07  }
0x1cc: {  	[timem:s3], [sflag:s2] =	dma.local @!p0 [hbm:s0], s1  }
0x1cd: {  	s0 =	simm.s32 @!p0 $0x7  }
0x1ce: {  	_ =	swait.ge @!p0 [sflag:s0], s1  }
0x1cf: {  	s1 =	ssub.s32 @!p0 $0x0, s1;
	[sflag:s0] =	ssyncset.done @!p0 $0x0  }
0x1d0: {  	[sflag:s0] =	ssyncadd.s32 @!p0 s1  }
0x1d1: {  	[bflag:$0x3] =	sbarrier.arrive $0xFFFF  }
0x1d2: {  	_ =	shalt  }

// kernel: sparse-core-data-format-call.cloned.1.call-start
scs
called_computation_lowered:
.L_overlay_start_0:
0x0: {  	s2 =	sld [smem:$0x3FD9]  }
0x1: {  	s3 =	sld [smem:$0x3FFE];
	_ =	sdelay $0x1  }
0x2: {  	s1 =	srdreg.scid  }
0x3: {  	s0 =	sand.u32 $0x1, s1  }
0x4: {  	s18 =	sshll.u32 s0, $0xA;
	s2 =	sadd.s32 s3, s2  }
0x5: {  	s2 =	sadd.s32 s2, s18  }
0x6: {  	[smem:$0x3FC5] =	sst s2  }
0x7: {  	_ = 	snop  }
0x8: {  	s2 =	sld [smem:$0x3FD0];
	(tm) =	ssettm $0x1  }
0x9: {  	s19 =	sld [smem:$0x3FFB];
	_ =	sdelay $0x3  }
0xa: {  	_ =	strace s19  }
0xb: {  	s3 =	sld [smem:$0x3FFC];
	_ =	sdelay $0x3  }
0xc: {  	_ =	strace s3  }
0xd: {  	s3 =	sld [smem:$0x3FFD];
	_ =	sdelay $0x3  }
0xe: {  	_ =	strace s3  }
0xf: {  	_ =	strace $0x8FFFFFFF  }
0x10: {  	s20 =	sld [smem:$0x3FDB];
	_ =	sdelay $0x1  }
0x11: {  	s4 =	simm.s32 $_scs_section_size  }
0x12: {  	s5 =	simm.s32 $_size__tile_overlayer_lowered;
	s6 =	simm.s32 $_tile_overlayer_lowered  }
0x13: {  	s23 =	simm.s32 $0x1BFF;
	s22 =	sshll.u32 s6, $0x1;
	s3 =	sadd.s32 s4, s20  }
0x14: {  	s7 =	simm.s32 $0x0;
	s21 =	sshll.u32 s5, $0x1;
	s5 =	sadd.s32 s22, s3  }
0x15: {  	[timem:s7], [sflag:s23] =	dma.local [hbm:s5], s21  }
0x16: {  	_ =	swait.ge [sflag:s23], s21  }
0x17: {  	s4 =	ssub.s32 $0x0, s21;
	[sflag:s23] =	ssyncset.done $0x0  }
0x18: {  	[sflag:s23] =	ssyncadd.s32 s4;
	_ =	sdelay $0x1  }
0x19: {  	s24 =	simm.s32 $0x1B8B  }
0x1a: {  	_ =	swait.ge [sflag:s24], $0x1  }
0x1b: {  	[sflag:s24] =	ssyncset.done $0x0  }
0x1c: {  	s26 =	simm.s32 $0x1B8E;
	s25 =	sld [smem:$0x3FFE];
	[sflag:s24] =	ssyncadd.s32 $0xFFFFFFFF  }
0x1d: {  	s27 =	simm.s32 $execute0_lowered;
	[smem:$0x3FD2] =	sst s26  }
0x1e: {  	s5 =	sshll.u32 s27, $0x1;
	_ =	strace $0x80000049;
	[dreg:$0x1] =	wrdreg $0xFFFFFFFF  }
0x1f: {  	s28 =	simm.s32 $_size_execute0_lowered;
	s3 =	sadd.s32 s3, s5;
	[dreg:$0x0] =	wrdreg $0x0  }
0x20: {  	s5 =	sshll.u32 s28, $0x1;
	[dreg:$0x2] =	wrdreg s3  }
0x21: {  	[dreg:$0x3] =	wrdreg s5  }
0x22: {  	[dreg:$0x4] =	wrdreg $0xC0  }
0x23: {  	_ =	task [dreg:s7], $0x5FFFF  }
0x24: {  	[dreg:$0x1] =	wrdreg $0xFFFFFFFF  }
0x25: {  	[dreg:$0x0] =	wrdreg $0x60  }
0x26: {  	[dreg:$0x2] =	wrdreg s25  }
0x27: {  	[dreg:$0x3] =	wrdreg s2  }
0x28: {  	[dreg:$0x4] =	wrdreg $0x9  }
0x29: {  	_ =	task.clear_ibuf [dreg:s7], $0x5FFFF;
	_ =	strace $0x90000049  }
0x2a: {  	s29 =	simm.s32 $0x9;
	_ =	strace $0x8000004B  }
0x2b: {  	_ =	swait.ge [sflag:s29], $0x1  }
0x2c: {  	[sflag:s29] =	ssyncadd.s32 $0xFFFFFFFF  }
0x2d: {  	_ =	strace $0x9000004B  }
0x2e: {  	_ =	sfence  }
0x2f: {  	s30 =	sld [smem:$0x0];
	_ =	sdelay $0x2  }
0x30: {  	s31 =	sshll.u32 s1, $0xD;
	s1 =	sshrl.u32 s1, $0x2  }
0x31: {  	s3 =	sand.u32 $0x4000, s31;
	s1 =	sadd.s32 s1, s30  }
0x32: {  	s0 =	sor.u32 s3, s0;
	s1 =	sshll.u32 s1, $0x11  }
0x33: {  	s0 =	sor.u32 s1, s0  }
0x34: {  	s0 =	sadd.s32 $0x8F2B, s0  }
0x35: {  	[sflag:s0] =	ssyncadd.remote.s32 $0x1  }
0x36: {  	_ =	sfence.sel $0xFFFF  }
0x37: {  	[dreg:$0x0] =	wrdreg $0xFFFFFFFF;
	(pc) =	sbr.abs _section_cstart, $3  }
0x38: {  	[dreg:$0x1] =	wrdreg $0xFFFFFFFF  }
0x39: {  	_ =	task.clear_ibuf [dreg:s7], $0x2FFFF;
	_ =	strace $0x9FFFFFFF  }
0x3a: {  	(tm) =	ssettm $0x7FFFFFFF  }
0x3b: {  	_ =	shalt  }
tec
execute0_lowered:
.L_overlay_start_1:
0x0: {  	(tag) =	ssettag $0x1  }
0x1: {  	s0 =	srdreg.scid  }
0x2: {  	s1 =	sshll.u32 s0, $0x4  }
0x3: {  	s0 =	stileid.u32;
	s1 =	sand.u32 $0x10, s1  }
0x4: {  	s1 =	sor.u32 s0, s1  }
0x5: {  	s6 =	rddreg [dreg:$0x0];
	s4 =	simm.s32 $0x1;
	s2 =	sshll.u32 s1, $0x7  }
0x6: {  	s7 =	simm.s32 $0x2;
	s12 =	simm.s32 $0x0;
	s1 =	ssub.s32 $0x1000, s2  }
0x7: {  	s8 =	simm.s32 $0x8000;
	s13 =	simm.s32 $0x0;
	s3 =	sand.u32 $0xF80, s1  }
0x8: {  	s9 =	simm.s32 $0x0;
	s5 =	sshrl.u32 s1, $0xC;
	p0 =	sne.s32 s3, $0x0  }
.Ltmp0:
0x9: {  	s1 =	rddreg [dreg:$0x2];
	s4 =	simm.s32 @!p0 $0x0;
	(pc) =	sbr.rel .LBB1_1-.Ltmp0, $4  }
0xa: {  	s11 =	simm.s32 $0x0;
	s3 =	rddreg [dreg:$0x1];
	s5 =	sadd.s32 s4, s5  }
0xb: {  	_ =	strace $0x8000004A;
	s4 =	simm.s32 $0x1;
	s5 =	smul.u32 $0xC8, s5  }
0xc: {  	s6 =	sadd.s32 $0xC00, s6;
	s10 =	smov.u32 s2;
	[sflag:s4] =	ssyncpa.u1 $0x0  }
0xd: {  	p0 =	por $0x0, $0x0;
	[sflag:s7] =	ssyncpa.u1 $0x0;
	s7 =	sor.u32 $0x1, s5  }
.LBB1_4:
0xe: {  	s16 =	sshll.u32 s13, $0x3;
	s17 =	sand.u32 $0x78, s13  }
0xf: {  	s30 =	sand.u32 $0x3E00, s13;
	s12 =	sshll.u32 s12, $0xE;
	s16 =	sand.u32 $0xC00, s16  }
0x10: {  	s31 =	sand.u32 $0x7, s13;
	s16 =	sor.u32 s17, s16;
	s17 =	sadd.s32 s3, s30  }
0x11: {  	s13 =	sshll.u32 s31, $0x12;
	s16 =	sshrl.u32 s16, $0x3;
	s12 =	sadd.s32 s12, s17  }
0x12: {  	[tilespmem:s15+$0x0 ss:$0x81] =	vst.msk $0xffff, v0;
	s13 =	sor.u32 $0x400, s13;
	s12 =	sadd.s32 s16, s12  }
0x13: {  	[hbm4b:s12+s13] =	stream.strided.scatter [tilespmem:s14], [sflag:$0x2], $0x1000, s8, s13, $0x20;
	[tilespmem:$0x4040] =	vst v63  }
.LBB1_5:
0x14: {  	s14 =	sadd.s32 $0x1, s9  }
0x15: {  	s12 =	sadd.s32 $0x1000, s10;
	s16 =	smov.u32 s10;
	p2 =	sgt.s32 s14, $0xC7  }
0x16: {  	s16 =	smov.u32 @p2 s12  }
0x17: {  	s14 =	simm.s32 @p2 $0x0;
	p2 =	sgt.s32 s16, $0xFFF  }
0x18: {  	s16 =	smov.u32 @p2 s2;
	p2 =	sne.s32 s11, s7  }
.Ltmp1:
0x19: {  	p1 =	slt.u32 s11, $0x2;
	(pc) =	sbr.rel @!p2 .LBB1_6-.Ltmp1, $4  }
0x1a: {  	s15 =	simm.s32 @!p1 $0x2  }
0x1b: {  	s13 =	smov.u32 s10;
	p0 =	por !p0, !p0;
	_ =	swait.ge @!p1 [sflag:s15], $0x1000  }
0x1c: {  	s12 =	smov.u32 s9;
	[sflag:s15] =	ssyncset.done @!p1 $0x0;
	s9 =	smov.u32 s14  }
0x1d: {  	s11 =	sadd.s32 $0x1, s11;
	[sflag:s15] =	ssyncadd.s32 @!p1 $0xFFFFF000;
	s10 =	smov.u32 s16  }
.LBB1_1:
0x1e: {  	p1 =	sge.u32 s11, s5  }
0x1f: {  	s14 =	sand.u32 @!p1 $0x1FFFFFF, s9  }
0x20: {  	s15 =	smulhi.u32 @!p1 $0x147AE15, s14;
	_ =	sdelay $0x1  }
0x21: {  	s15 =	smul.u32 @!p1 $0xC8, s15  }
0x22: {  	s16 =	sxor.u32 @!p1 $0xFFFFFFFF, s11;
	s17 =	smul.u32 @!p1 $0xC80, s10  }
0x23: {  	s31 =	sadd.s32 $0xFFFFFFFF, s11;
	s16 =	sshll.u32 @!p1 s16, $0xC;
	s14 =	ssub.s32 @!p1 s14, s15  }
0x24: {  	s15 =	sand.u32 @!p1 $0x1000, s16;
	s16 =	sadd.s32 @!p1 s6, s17;
	s14 =	sshll.u32 @!p1 s14, $0x4  }
0x25: {  	s17 =	simm.s32 @!p1 $0x6400;
	s14 =	sadd.s32 @!p1 s14, s16;
	s16 =	simm.s32 @!p1 $0x20  }
0x26: {  	[tilespmem:s15], [sflag:$0x1] =	stream.strided.gather @!p1 [hbm4b:s14+s16], $0x1000, s17, s16, $0x38;
	[tilespmem:$0x4040] =	vst v63  }
0x27: {  	p1 =	sge.u32 s31, s5  }
.Ltmp2:
0x28: {  	_ = 	snop;
	(pc) =	sbr.rel @p1 .LBB1_5-.Ltmp2, $1  }
0x29: {  	_ =	sdelay $0x3  }
0x2a: {  	s14 =	simm.s32 $0x1  }
0x2b: {  	_ =	swait.ge [sflag:s4], $0x1000;
	s14 =	simm.s32 @!p0 $0x0  }
0x2c: {  	[sflag:s4] =	ssyncset.done $0x0;
	s15 =	sshll.u32 s14, $0xC  }
0x2d: {  	[sflag:s4] =	ssyncadd.s32 $0xFFFFF000;
	s18 =	sor.u32 $0x10, s15  }
0x2e: {  	s14 =	smul.u32 $0x4080, s14;
	v1 =	vld [tilespmem:s18+$0x0]  }
0x2f: {  	s30 =	sand.u32 $0x1, s11;
	v0 =	vld [tilespmem:s18+$0xFFFFFFF0]  }
0x30: {  	s15 =	smul.u32 $0x4080, s30;
	s14 =	sshrl.u32 s14, $0x2  }
0x31: {  	s16 =	sor.u32 $0x2000, s14  }
0x32: {  	s31 =	sshrl.u32 s15, $0x2;
	s15 =	sadd.s32 $0x0, s16  }
0x33: {  	s17 =	simm.s32 $0x4;
	s18 =	sadd.s32 $0x20, s18;
	s14 =	sor.u32 $0x2000, s31;
	[tilespmem:s15+$0x810 ss:$0x81] =	vst.msk $0xffff, v1  }
.LBB1_3:
0x34: {  	v1 =	vld [tilespmem:s18+$0x0];
	p1 =	sne.s32 s17, $0x1FC;
	[tilespmem:s15+$0x0 ss:$0x81] =	vst.msk $0xffff, v0;
	s15 =	smov.u32 s17;
	s17 =	sadd.s32 $0x4, s17  }
.Ltmp3:
0x35: {  	v0 =	vld [tilespmem:s18+$0xFFFFFFF0];
	(pc) =	sbr.rel @p1 .LBB1_3-.Ltmp3, $4  }
0x36: {  	_ = 	snop  }
0x37: {  	s15 =	sshra.s32 s15, $0x2  }
0x38: {  	s15 =	sadd.s32 s15, s16  }
0x39: {  	s18 =	sadd.s32 $0x20, s18;
	[tilespmem:s15+$0x810 ss:$0x81] =	vst.msk $0xffff, v1  }
.Ltmp4:
0x3a: {  	_ = 	snop;
	(pc) =	sbr.rel .LBB1_4-.Ltmp4, $1  }
0x3b: {  	_ =	sdelay $0x3  }
.LBB1_6:
0x3c: {  	_ =	sfence.sel $0x180000  }
0x3d: {  	s2 =	simm.s32 $0x1;
	[bflag:$0x0] =	sbarrier.arrive $0xFFFF  }
0x3e: {  	s31 =	simm.s32 $0x2;
	[sflag:s2] =	ssyncpa.u1 $0x1  }
0x3f: {  	[sflag:s31] =	ssyncpa.u1 $0x1  }
0x40: {  	p0 =	sne.s32 s0, $0x0;
	_ =	strace $0x9000004A  }
0x41: {  	s0 =	sadd.s32 @!p0 $0x100000, s1;
	[bflag:$0x2] =	sbarrier.arrive $0xFFFF  }
0x42: {  	[sflag:s0] =	ssyncadd.tile.s32 @!p0 $0x1;
	_ =	shalt  }
.Lfunc_end1:
_tile_overlayer_lowered:
.L_overlay_start_2:
0x43: {  	(tag) =	ssettag $0x2  }
0x44: {  	s0 =	rddreg [dreg:$0x0];
	s2 =	stileid.u32  }
0x45: {  	s1 =	rddreg [dreg:$0x1];
	p0 =	sne.s32 s2, $0x0  }
0x46: {  	s3 =	rddreg [dreg:$0x2];
	[bflag:$0x3] =	sbarrier.arrive $0xFFFF;
	s2 =	simm.s32 @!p0 $0x1C01  }
0x47: {  	[timem:s3], [sflag:s2] =	dma.local @!p0 [hbm:s0], s1  }
0x48: {  	s0 =	simm.s32 @!p0 $0x1  }
0x49: {  	_ =	swait.ge @!p0 [sflag:s0], s1  }
0x4a: {  	s1 =	ssub.s32 @!p0 $0x0, s1;
	[sflag:s0] =	ssyncset.done @!p0 $0x0  }
0x4b: {  	[sflag:s0] =	ssyncadd.s32 @!p0 s1  }
0x4c: {  	[bflag:$0x3] =	sbarrier.arrive $0xFFFF  }
0x4d: {  	_ =	shalt  }

</sc_bundles>
